<compile_context>
chip_gen: v7x
topology: tpu7x:2x2x1
jax: 0.10.2.dev20260603
libtpu: 0.0.44.dev20260713+nightly
codegen_flags: <defaults>
</compile_context>

<pallas_src>
import jax
import jax.numpy as jnp
from jax import lax
from jax.experimental import pallas as pl
from jax.experimental.pallas import tpu as pltpu, tpu_sc as plsc

R, C = 128, 32768
SC_R = 64
TC_R = R - SC_R
NC, NS = 2, 16
NW = NC * NS
ROWS_PER_W = SC_R // NW
LANES = 16
NVEC = C // LANES
NCHUNK = 2
CELEM = C // NCHUNK
CVEC = NVEC // NCHUNK
NCHAIN = 4
SPANC = CVEC // NCHAIN
NBUF = 3
NQ = ROWS_PER_W * NCHUNK
SC_PER_CORE = NS * ROWS_PER_W
TC_CBLK = 8192
INT_MAX = 2147483647


def _argmax_body(x_hbm, out_hbm, b0, b1, b2, res_buf, stage_v, outc,
                 shared, sem0, sem1, sem2):
    c = lax.axis_index("c")
    s = lax.axis_index("s")
    wid = c * NS + s
    row0 = wid * ROWS_PER_W
    lane = lax.iota(jnp.int32, LANES)
    bufs = (b0, b1, b2)
    sems = (sem0, sem1, sem2)
    copies = [None] * NBUF

    def start(q):
        k, h = divmod(q, NCHUNK)
        cp = pltpu.make_async_copy(
            x_hbm.at[row0 + k, pl.ds(h * CELEM, CELEM)],
            bufs[q % NBUF], sems[q % NBUF])
        cp.start()
        copies[q % NBUF] = cp

    for q in range(NBUF):
        start(q)

    res = jnp.zeros((LANES,), jnp.int32)
    rbest = None
    rbiter = None
    for q in range(NQ):
        copies[q % NBUF].wait()
        buf = bufs[q % NBUF]
        k, h = divmod(q, NCHUNK)

        def step(i, carry, _buf=buf, _h=h):
            bests, biters = carry
            nb, ni = [], []
            for j in range(NCHAIN):
                vi = i + j * SPANC
                v = _buf[pl.ds(vi * LANES, LANES)]
                m = v > bests[j]
                nb.append(jnp.where(m, v, bests[j]))
                gvi = vi + _h * CVEC
                ni.append(jnp.where(m, jnp.full((LANES,), gvi, jnp.int32),
                                    biters[j]))
            return tuple(nb), tuple(ni)

        bests0 = tuple(jnp.full((LANES,), -jnp.inf, jnp.float32)
                       for _ in range(NCHAIN))
        biters0 = tuple(jnp.zeros((LANES,), jnp.int32)
                        for _ in range(NCHAIN))
        bests, biters = lax.fori_loop(0, SPANC, step, (bests0, biters0),
                                      unroll=4)

        if h == 0:
            rbest, rbiter = bests[0], biters[0]
            rest = range(1, NCHAIN)
        else:
            rest = range(NCHAIN)
        for j in rest:
            m = bests[j] > rbest
            rbest = jnp.where(m, bests[j], rbest)
            rbiter = jnp.where(m, biters[j], rbiter)

        if h == NCHUNK - 1:
            gmaxv = rbest
            for step2 in (1, 2, 4, 8):
                gmaxv = jnp.maximum(
                    gmaxv, gmaxv.at[lane ^ step2].get(mode="promise_in_bounds"))
            idx = rbiter * LANES + lane
            cand = jnp.where(rbest == gmaxv, idx,
                             jnp.full((LANES,), INT_MAX, jnp.int32))
            for step2 in (1, 2, 4, 8):
                cand = jnp.minimum(
                    cand, cand.at[lane ^ step2].get(mode="promise_in_bounds"))
            res = jnp.where(lane == k, cand, res)

        if q + NBUF < NQ:
            start(q + NBUF)

    res_buf[...] = res
    pltpu.sync_copy(res_buf, shared.at[pl.ds(s * LANES, LANES)])
    plsc.subcore_barrier()

    @pl.when(s == 0)
    def _():
        pltpu.sync_copy(shared, stage_v)
        lm = jnp.bitwise_and(lane, ROWS_PER_W - 1)
        subs_per_chunk = LANES // ROWS_PER_W
        for t in range(SC_PER_CORE // LANES):
            g = []
            for i in range(subs_per_chunk):
                w = stage_v[pl.ds((subs_per_chunk * t + i) * LANES, LANES)]
                g.append(w.at[lm].get(mode="promise_in_bounds"))
            sel = g[-1]
            for i in range(subs_per_chunk - 2, -1, -1):
                sel = jnp.where(lane < (i + 1) * ROWS_PER_W, g[i], sel)
            outc[pl.ds(t * LANES, LANES)] = sel
        pltpu.sync_copy(outc, out_hbm.at[pl.ds(c * SC_PER_CORE,
                                               SC_PER_CORE)])


def _tc_body(x_ref, out_ref):
    x = x_ref[...]
    col = lax.broadcasted_iota(jnp.int32, x.shape, 1)
    m = jnp.max(x, axis=1, keepdims=True)
    cand = jnp.where(x == m, col, INT_MAX)
    am = jnp.min(cand, axis=1)
    out_ref[...] = jnp.broadcast_to(am[:, None], out_ref.shape)


def kernel(x):
    mesh = plsc.VectorSubcoreMesh(core_axis_name="c", subcore_axis_name="s")
    sc_out = pl.kernel(
        _argmax_body,
        out_type=jax.ShapeDtypeStruct((SC_R,), jnp.int32),
        mesh=mesh,
        scratch_types=[
            pltpu.VMEM((CELEM,), jnp.float32),
            pltpu.VMEM((CELEM,), jnp.float32),
            pltpu.VMEM((CELEM,), jnp.float32),
            pltpu.VMEM((LANES,), jnp.int32),
            pltpu.VMEM((NS * LANES,), jnp.int32),
            pltpu.VMEM((SC_PER_CORE,), jnp.int32),
            pltpu.VMEM_SHARED((NS * LANES,), jnp.int32),
            pltpu.SemaphoreType.DMA,
            pltpu.SemaphoreType.DMA,
            pltpu.SemaphoreType.DMA,
        ],
    )(x)

    BLK = 16
    tc_out = pl.pallas_call(
        _tc_body,
        grid=(TC_R // BLK,),
        in_specs=[pl.BlockSpec((BLK, C), lambda i: (i + SC_R // BLK, 0))],
        out_specs=pl.BlockSpec((BLK, 128), lambda i: (i, 0)),
        out_shape=jax.ShapeDtypeStruct((TC_R, 128), jnp.int32),
        )(x)

    return jnp.concatenate([sc_out, tc_out[:, 0]])

# --- scband reference (transcript-rebuilt; emitter-appended) ---
"""Pipeline reference for scband-torch-arg-max-33337536152179 (READ-ONLY COPY).

The authoritative reference and input builder live on the scoring server;
editing this copy changes nothing except your own understanding.
"""

import jax, jax.numpy as jnp
import numpy as np


def setup_inputs(seed: int = 0) -> dict:
    key = jax.random.key(seed)
    x = jax.random.normal(key, (128, 32768), dtype=jnp.float32)
    return {"x": x}


def reference(x):
    # TorchArgMax.forward: torch.argmax(x, axis=1, keepdims=False)
    return jnp.argmax(x, axis=1, keepdims=False)

if __name__ == "__main__":
    import jax
    _d = setup_inputs()
    print(jax.jit(kernel)(*tuple(_d.values())))

</pallas_src>

<mosaic_0001>
#map = affine_map<(d0, d1) -> (0, 0)>
#map1 = affine_map<(d0, d1) -> (0)>
module attributes {stable_mosaic.version = 14 : i64} {
  func.func @_argmax_body(%arg0: i32, %arg1: i32, %arg2: memref<128x32768xf32, #tpu.memory_space<hbm>>, %arg3: memref<64xi32, #tpu.memory_space<hbm>>, %arg4: memref<16384xf32, #tpu.memory_space<vmem>>, %arg5: memref<16384xf32, #tpu.memory_space<vmem>>, %arg6: memref<16384xf32, #tpu.memory_space<vmem>>, %arg7: memref<16xi32, #tpu.memory_space<vmem>>, %arg8: memref<256xi32, #tpu.memory_space<vmem>>, %arg9: memref<32xi32, #tpu.memory_space<vmem>>, %arg10: memref<256xi32, #tpu.memory_space<vmem_shared>>, %arg11: memref<!tpu.dma_semaphore, #tpu.memory_space<semaphore_mem>>, %arg12: memref<!tpu.dma_semaphore, #tpu.memory_space<semaphore_mem>>, %arg13: memref<!tpu.dma_semaphore, #tpu.memory_space<semaphore_mem>>) attributes {dimension_semantics = [#tpu.dimension_semantics<core_parallel>, #tpu.dimension_semantics<subcore_parallel>], iteration_bounds = array<i64: 2, 16>, scalar_prefetch = 0 : i64, scratch_operands = 10 : i64, tpu.core_type = #tpu.core_type<sc_vector_subcore>, window_params = [{transform_indices = #map}, {transform_indices = #map1}]} {
    %mul3A = arith.constant 16 : i32
    %mul3A_0 = arith.muli %arg0, %mul3A : i32
    %add3A = arith.addi %mul3A_0, %arg1 : i32
    %mul3A_1 = arith.constant 2 : i32
    %mul3A_2 = arith.muli %add3A, %mul3A_1 : i32
    %iota3A = tpu.iota {dimensions = array<i32: 0>} : vector<16xi32>
    %add3A_3 = arith.constant 0 : i32
    %add3A_4 = arith.addi %mul3A_2, %add3A_3 : i32
    %dma_start3A = arith.constant 0 : i32
    %dma_start3A_5 = tpu.memref_slice %arg2[%add3A_4, %dma_start3A] : memref<128x32768xf32, #tpu.memory_space<hbm>> -> memref<1x16384xf32, #tpu.memory_space<hbm>>
    %dma_start3A_6 = tpu.memref_squeeze %dma_start3A_5 : memref<1x16384xf32, #tpu.memory_space<hbm>> -> memref<16384xf32, #tpu.memory_space<hbm>>
    %dma_start3A_7 = arith.constant 0 : i32
    %dma_start3A_8 = tpu.memref_slice %arg2[%add3A_4, %dma_start3A_7] : memref<128x32768xf32, #tpu.memory_space<hbm>> -> memref<1x16384xf32, #tpu.memory_space<hbm>>
    %dma_start3A_9 = tpu.memref_squeeze %dma_start3A_8 : memref<1x16384xf32, #tpu.memory_space<hbm>> -> memref<16384xf32, #tpu.memory_space<hbm>>
    tpu.enqueue_dma source(%dma_start3A_9 : memref<16384xf32, #tpu.memory_space<hbm>>) target(%arg4 : memref<16384xf32, #tpu.memory_space<vmem>>) target_semaphore(%arg11 : memref<!tpu.dma_semaphore, #tpu.memory_space<semaphore_mem>>)
    %add3A_10 = arith.constant 0 : i32
    %add3A_11 = arith.addi %mul3A_2, %add3A_10 : i32
    %dma_start3A_12 = arith.constant 16384 : i32
    %dma_start3A_13 = tpu.memref_slice %arg2[%add3A_11, %dma_start3A_12] : memref<128x32768xf32, #tpu.memory_space<hbm>> -> memref<1x16384xf32, #tpu.memory_space<hbm>>
    %dma_start3A_14 = tpu.memref_squeeze %dma_start3A_13 : memref<1x16384xf32, #tpu.memory_space<hbm>> -> memref<16384xf32, #tpu.memory_space<hbm>>
    %dma_start3A_15 = arith.constant 16384 : i32
    %dma_start3A_16 = tpu.memref_slice %arg2[%add3A_11, %dma_start3A_15] : memref<128x32768xf32, #tpu.memory_space<hbm>> -> memref<1x16384xf32, #tpu.memory_space<hbm>>
    %dma_start3A_17 = tpu.memref_squeeze %dma_start3A_16 : memref<1x16384xf32, #tpu.memory_space<hbm>> -> memref<16384xf32, #tpu.memory_space<hbm>>
    tpu.enqueue_dma source(%dma_start3A_17 : memref<16384xf32, #tpu.memory_space<hbm>>) target(%arg5 : memref<16384xf32, #tpu.memory_space<vmem>>) target_semaphore(%arg12 : memref<!tpu.dma_semaphore, #tpu.memory_space<semaphore_mem>>)
    %add3A_18 = arith.constant 1 : i32
    %add3A_19 = arith.addi %mul3A_2, %add3A_18 : i32
    %dma_start3A_20 = arith.constant 0 : i32
    %dma_start3A_21 = tpu.memref_slice %arg2[%add3A_19, %dma_start3A_20] : memref<128x32768xf32, #tpu.memory_space<hbm>> -> memref<1x16384xf32, #tpu.memory_space<hbm>>
    %dma_start3A_22 = tpu.memref_squeeze %dma_start3A_21 : memref<1x16384xf32, #tpu.memory_space<hbm>> -> memref<16384xf32, #tpu.memory_space<hbm>>
    %dma_start3A_23 = arith.constant 0 : i32
    %dma_start3A_24 = tpu.memref_slice %arg2[%add3A_19, %dma_start3A_23] : memref<128x32768xf32, #tpu.memory_space<hbm>> -> memref<1x16384xf32, #tpu.memory_space<hbm>>
    %dma_start3A_25 = tpu.memref_squeeze %dma_start3A_24 : memref<1x16384xf32, #tpu.memory_space<hbm>> -> memref<16384xf32, #tpu.memory_space<hbm>>
    tpu.enqueue_dma source(%dma_start3A_25 : memref<16384xf32, #tpu.memory_space<hbm>>) target(%arg6 : memref<16384xf32, #tpu.memory_space<vmem>>) target_semaphore(%arg13 : memref<!tpu.dma_semaphore, #tpu.memory_space<semaphore_mem>>)
    %broadcast_in_dim3A = arith.constant 0 : i32
    %broadcast_in_dim3A_26 = vector.broadcast %broadcast_in_dim3A : i32 to vector<16xi32>
    %dma_wait3A = arith.constant 0 : i32
    %dma_wait3A_27 = tpu.memref_slice %arg2[%add3A_4, %dma_wait3A] : memref<128x32768xf32, #tpu.memory_space<hbm>> -> memref<1x16384xf32, #tpu.memory_space<hbm>>
    %dma_wait3A_28 = tpu.memref_squeeze %dma_wait3A_27 : memref<1x16384xf32, #tpu.memory_space<hbm>> -> memref<16384xf32, #tpu.memory_space<hbm>>
    %dma_wait3A_29 = arith.constant 0 : i32
    %dma_wait3A_30 = tpu.memref_slice %arg2[%add3A_4, %dma_wait3A_29] : memref<128x32768xf32, #tpu.memory_space<hbm>> -> memref<1x16384xf32, #tpu.memory_space<hbm>>
    %dma_wait3A_31 = tpu.memref_squeeze %dma_wait3A_30 : memref<1x16384xf32, #tpu.memory_space<hbm>> -> memref<16384xf32, #tpu.memory_space<hbm>>
    tpu.wait_dma2 semaphore(%arg11 : memref<!tpu.dma_semaphore, #tpu.memory_space<semaphore_mem>>) src(%dma_wait3A_31 : memref<16384xf32, #tpu.memory_space<hbm>>) dst(%arg4 : memref<16384xf32, #tpu.memory_space<vmem>>)
    %broadcast_in_dim3A_32 = arith.constant 0xFF800000 : f32
    %broadcast_in_dim3A_33 = vector.broadcast %broadcast_in_dim3A_32 : f32 to vector<16xf32>
    %broadcast_in_dim3A_34 = arith.constant 0xFF800000 : f32
    %broadcast_in_dim3A_35 = vector.broadcast %broadcast_in_dim3A_34 : f32 to vector<16xf32>
    %broadcast_in_dim3A_36 = arith.constant 0xFF800000 : f32
    %broadcast_in_dim3A_37 = vector.broadcast %broadcast_in_dim3A_36 : f32 to vector<16xf32>
    %broadcast_in_dim3A_38 = arith.constant 0xFF800000 : f32
    %broadcast_in_dim3A_39 = vector.broadcast %broadcast_in_dim3A_38 : f32 to vector<16xf32>
    %broadcast_in_dim3A_40 = arith.constant 0 : i32
    %broadcast_in_dim3A_41 = vector.broadcast %broadcast_in_dim3A_40 : i32 to vector<16xi32>
    %broadcast_in_dim3A_42 = arith.constant 0 : i32
    %broadcast_in_dim3A_43 = vector.broadcast %broadcast_in_dim3A_42 : i32 to vector<16xi32>
    %broadcast_in_dim3A_44 = arith.constant 0 : i32
    %broadcast_in_dim3A_45 = vector.broadcast %broadcast_in_dim3A_44 : i32 to vector<16xi32>
    %broadcast_in_dim3A_46 = arith.constant 0 : i32
    %broadcast_in_dim3A_47 = vector.broadcast %broadcast_in_dim3A_46 : i32 to vector<16xi32>
    %scan3A = arith.constant 0 : i32
    %scan3A_48 = arith.constant 256 : i32
    %scan3A_49 = arith.addi %scan3A, %scan3A_48 : i32
    %scan3A_50 = arith.constant 4 : i32
    %scan3A_51:8 = scf.for %scan3A_435 = %scan3A to %scan3A_49 step %scan3A_50 iter_args(%scan3A_436 = %broadcast_in_dim3A_33, %scan3A_437 = %broadcast_in_dim3A_35, %scan3A_438 = %broadcast_in_dim3A_37, %scan3A_439 = %broadcast_in_dim3A_39, %scan3A_440 = %broadcast_in_dim3A_41, %scan3A_441 = %broadcast_in_dim3A_43, %scan3A_442 = %broadcast_in_dim3A_45, %scan3A_443 = %broadcast_in_dim3A_47) -> (vector<16xf32>, vector<16xf32>, vector<16xf32>, vector<16xf32>, vector<16xi32>, vector<16xi32>, vector<16xi32>, vector<16xi32>)  : i32 {
      %add3A_444 = arith.constant 0 : i32
      %add3A_445 = arith.addi %scan3A_435, %add3A_444 : i32
      %mul3A_446 = arith.constant 16 : i32
      %mul3A_447 = arith.muli %add3A_445, %mul3A_446 : i32
      %get3A = arith.index_cast %mul3A_447 : i32 to index
      %get3A_448 = tpu.vector_load %arg4[%get3A] {strides = array<i32>} : memref<16384xf32, #tpu.memory_space<vmem>>, vector<16xf32>,
      %get3A_449 = vector.shape_cast %get3A_448 : vector<16xf32> to vector<16xf32>
      %gt3A_450 = arith.cmpf ogt, %get3A_449, %scan3A_436 : vector<16xf32>
      %select_n3A_451 = arith.select %gt3A_450, %get3A_449, %scan3A_436 : vector<16xi1>, vector<16xf32>
      %add3A_452 = arith.constant 0 : i32
      %add3A_453 = arith.addi %add3A_445, %add3A_452 : i32
      %broadcast_in_dim3A_454 = vector.broadcast %add3A_453 : i32 to vector<16xi32>
      %select_n3A_455 = arith.select %gt3A_450, %broadcast_in_dim3A_454, %scan3A_440 : vector<16xi1>, vector<16xi32>
      %add3A_456 = arith.constant 256 : i32
      %add3A_457 = arith.addi %scan3A_435, %add3A_456 : i32
      %mul3A_458 = arith.constant 16 : i32
      %mul3A_459 = arith.muli %add3A_457, %mul3A_458 : i32
      %get3A_460 = arith.index_cast %mul3A_459 : i32 to index
      %get3A_461 = tpu.vector_load %arg4[%get3A_460] {strides = array<i32>} : memref<16384xf32, #tpu.memory_space<vmem>>, vector<16xf32>,
      %get3A_462 = vector.shape_cast %get3A_461 : vector<16xf32> to vector<16xf32>
      %gt3A_463 = arith.cmpf ogt, %get3A_462, %scan3A_437 : vector<16xf32>
      %select_n3A_464 = arith.select %gt3A_463, %get3A_462, %scan3A_437 : vector<16xi1>, vector<16xf32>
      %add3A_465 = arith.constant 0 : i32
      %add3A_466 = arith.addi %add3A_457, %add3A_465 : i32
      %broadcast_in_dim3A_467 = vector.broadcast %add3A_466 : i32 to vector<16xi32>
      %select_n3A_468 = arith.select %gt3A_463, %broadcast_in_dim3A_467, %scan3A_441 : vector<16xi1>, vector<16xi32>
      %add3A_469 = arith.constant 512 : i32
      %add3A_470 = arith.addi %scan3A_435, %add3A_469 : i32
      %mul3A_471 = arith.constant 16 : i32
      %mul3A_472 = arith.muli %add3A_470, %mul3A_471 : i32
      %get3A_473 = arith.index_cast %mul3A_472 : i32 to index
      %get3A_474 = tpu.vector_load %arg4[%get3A_473] {strides = array<i32>} : memref<16384xf32, #tpu.memory_space<vmem>>, vector<16xf32>,
      %get3A_475 = vector.shape_cast %get3A_474 : vector<16xf32> to vector<16xf32>
      %gt3A_476 = arith.cmpf ogt, %get3A_475, %scan3A_438 : vector<16xf32>
      %select_n3A_477 = arith.select %gt3A_476, %get3A_475, %scan3A_438 : vector<16xi1>, vector<16xf32>
      %add3A_478 = arith.constant 0 : i32
      %add3A_479 = arith.addi %add3A_470, %add3A_478 : i32
      %broadcast_in_dim3A_480 = vector.broadcast %add3A_479 : i32 to vector<16xi32>
      %select_n3A_481 = arith.select %gt3A_476, %broadcast_in_dim3A_480, %scan3A_442 : vector<16xi1>, vector<16xi32>
      %add3A_482 = arith.constant 768 : i32
      %add3A_483 = arith.addi %scan3A_435, %add3A_482 : i32
      %mul3A_484 = arith.constant 16 : i32
      %mul3A_485 = arith.muli %add3A_483, %mul3A_484 : i32
      %get3A_486 = arith.index_cast %mul3A_485 : i32 to index
      %get3A_487 = tpu.vector_load %arg4[%get3A_486] {strides = array<i32>} : memref<16384xf32, #tpu.memory_space<vmem>>, vector<16xf32>,
      %get3A_488 = vector.shape_cast %get3A_487 : vector<16xf32> to vector<16xf32>
      %gt3A_489 = arith.cmpf ogt, %get3A_488, %scan3A_439 : vector<16xf32>
      %select_n3A_490 = arith.select %gt3A_489, %get3A_488, %scan3A_439 : vector<16xi1>, vector<16xf32>
      %add3A_491 = arith.constant 0 : i32
      %add3A_492 = arith.addi %add3A_483, %add3A_491 : i32
      %broadcast_in_dim3A_493 = vector.broadcast %add3A_492 : i32 to vector<16xi32>
      %select_n3A_494 = arith.select %gt3A_489, %broadcast_in_dim3A_493, %scan3A_443 : vector<16xi1>, vector<16xi32>
      %scan3A_495 = arith.constant 1 : i32
      %scan3A_496 = arith.addi %scan3A_435, %scan3A_495 : i32
      %add3A_497 = arith.constant 0 : i32
      %add3A_498 = arith.addi %scan3A_496, %add3A_497 : i32
      %mul3A_499 = arith.constant 16 : i32
      %mul3A_500 = arith.muli %add3A_498, %mul3A_499 : i32
      %get3A_501 = arith.index_cast %mul3A_500 : i32 to index
      %get3A_502 = tpu.vector_load %arg4[%get3A_501] {strides = array<i32>} : memref<16384xf32, #tpu.memory_space<vmem>>, vector<16xf32>,
      %get3A_503 = vector.shape_cast %get3A_502 : vector<16xf32> to vector<16xf32>
      %gt3A_504 = arith.cmpf ogt, %get3A_503, %select_n3A_451 : vector<16xf32>
      %select_n3A_505 = arith.select %gt3A_504, %get3A_503, %select_n3A_451 : vector<16xi1>, vector<16xf32>
      %add3A_506 = arith.constant 0 : i32
      %add3A_507 = arith.addi %add3A_498, %add3A_506 : i32
      %broadcast_in_dim3A_508 = vector.broadcast %add3A_507 : i32 to vector<16xi32>
      %select_n3A_509 = arith.select %gt3A_504, %broadcast_in_dim3A_508, %select_n3A_455 : vector<16xi1>, vector<16xi32>
      %add3A_510 = arith.constant 256 : i32
      %add3A_511 = arith.addi %scan3A_496, %add3A_510 : i32
      %mul3A_512 = arith.constant 16 : i32
      %mul3A_513 = arith.muli %add3A_511, %mul3A_512 : i32
      %get3A_514 = arith.index_cast %mul3A_513 : i32 to index
      %get3A_515 = tpu.vector_load %arg4[%get3A_514] {strides = array<i32>} : memref<16384xf32, #tpu.memory_space<vmem>>, vector<16xf32>,
      %get3A_516 = vector.shape_cast %get3A_515 : vector<16xf32> to vector<16xf32>
      %gt3A_517 = arith.cmpf ogt, %get3A_516, %select_n3A_464 : vector<16xf32>
      %select_n3A_518 = arith.select %gt3A_517, %get3A_516, %select_n3A_464 : vector<16xi1>, vector<16xf32>
      %add3A_519 = arith.constant 0 : i32
      %add3A_520 = arith.addi %add3A_511, %add3A_519 : i32
      %broadcast_in_dim3A_521 = vector.broadcast %add3A_520 : i32 to vector<16xi32>
      %select_n3A_522 = arith.select %gt3A_517, %broadcast_in_dim3A_521, %select_n3A_468 : vector<16xi1>, vector<16xi32>
      %add3A_523 = arith.constant 512 : i32
      %add3A_524 = arith.addi %scan3A_496, %add3A_523 : i32
      %mul3A_525 = arith.constant 16 : i32
      %mul3A_526 = arith.muli %add3A_524, %mul3A_525 : i32
      %get3A_527 = arith.index_cast %mul3A_526 : i32 to index
      %get3A_528 = tpu.vector_load %arg4[%get3A_527] {strides = array<i32>} : memref<16384xf32, #tpu.memory_space<vmem>>, vector<16xf32>,
      %get3A_529 = vector.shape_cast %get3A_528 : vector<16xf32> to vector<16xf32>
      %gt3A_530 = arith.cmpf ogt, %get3A_529, %select_n3A_477 : vector<16xf32>
      %select_n3A_531 = arith.select %gt3A_530, %get3A_529, %select_n3A_477 : vector<16xi1>, vector<16xf32>
      %add3A_532 = arith.constant 0 : i32
      %add3A_533 = arith.addi %add3A_524, %add3A_532 : i32
      %broadcast_in_dim3A_534 = vector.broadcast %add3A_533 : i32 to vector<16xi32>
      %select_n3A_535 = arith.select %gt3A_530, %broadcast_in_dim3A_534, %select_n3A_481 : vector<16xi1>, vector<16xi32>
      %add3A_536 = arith.constant 768 : i32
      %add3A_537 = arith.addi %scan3A_496, %add3A_536 : i32
      %mul3A_538 = arith.constant 16 : i32
      %mul3A_539 = arith.muli %add3A_537, %mul3A_538 : i32
      %get3A_540 = arith.index_cast %mul3A_539 : i32 to index
      %get3A_541 = tpu.vector_load %arg4[%get3A_540] {strides = array<i32>} : memref<16384xf32, #tpu.memory_space<vmem>>, vector<16xf32>,
      %get3A_542 = vector.shape_cast %get3A_541 : vector<16xf32> to vector<16xf32>
      %gt3A_543 = arith.cmpf ogt, %get3A_542, %select_n3A_490 : vector<16xf32>
      %select_n3A_544 = arith.select %gt3A_543, %get3A_542, %select_n3A_490 : vector<16xi1>, vector<16xf32>
      %add3A_545 = arith.constant 0 : i32
      %add3A_546 = arith.addi %add3A_537, %add3A_545 : i32
      %broadcast_in_dim3A_547 = vector.broadcast %add3A_546 : i32 to vector<16xi32>
      %select_n3A_548 = arith.select %gt3A_543, %broadcast_in_dim3A_547, %select_n3A_494 : vector<16xi1>, vector<16xi32>
      %scan3A_549 = arith.constant 2 : i32
      %scan3A_550 = arith.addi %scan3A_435, %scan3A_549 : i32
      %add3A_551 = arith.constant 0 : i32
      %add3A_552 = arith.addi %scan3A_550, %add3A_551 : i32
      %mul3A_553 = arith.constant 16 : i32
      %mul3A_554 = arith.muli %add3A_552, %mul3A_553 : i32
      %get3A_555 = arith.index_cast %mul3A_554 : i32 to index
      %get3A_556 = tpu.vector_load %arg4[%get3A_555] {strides = array<i32>} : memref<16384xf32, #tpu.memory_space<vmem>>, vector<16xf32>,
      %get3A_557 = vector.shape_cast %get3A_556 : vector<16xf32> to vector<16xf32>
      %gt3A_558 = arith.cmpf ogt, %get3A_557, %select_n3A_505 : vector<16xf32>
      %select_n3A_559 = arith.select %gt3A_558, %get3A_557, %select_n3A_505 : vector<16xi1>, vector<16xf32>
      %add3A_560 = arith.constant 0 : i32
      %add3A_561 = arith.addi %add3A_552, %add3A_560 : i32
      %broadcast_in_dim3A_562 = vector.broadcast %add3A_561 : i32 to vector<16xi32>
      %select_n3A_563 = arith.select %gt3A_558, %broadcast_in_dim3A_562, %select_n3A_509 : vector<16xi1>, vector<16xi32>
      %add3A_564 = arith.constant 256 : i32
      %add3A_565 = arith.addi %scan3A_550, %add3A_564 : i32
      %mul3A_566 = arith.constant 16 : i32
      %mul3A_567 = arith.muli %add3A_565, %mul3A_566 : i32
      %get3A_568 = arith.index_cast %mul3A_567 : i32 to index
      %get3A_569 = tpu.vector_load %arg4[%get3A_568] {strides = array<i32>} : memref<16384xf32, #tpu.memory_space<vmem>>, vector<16xf32>,
      %get3A_570 = vector.shape_cast %get3A_569 : vector<16xf32> to vector<16xf32>
      %gt3A_571 = arith.cmpf ogt, %get3A_570, %select_n3A_518 : vector<16xf32>
      %select_n3A_572 = arith.select %gt3A_571, %get3A_570, %select_n3A_518 : vector<16xi1>, vector<16xf32>
      %add3A_573 = arith.constant 0 : i32
      %add3A_574 = arith.addi %add3A_565, %add3A_573 : i32
      %broadcast_in_dim3A_575 = vector.broadcast %add3A_574 : i32 to vector<16xi32>
      %select_n3A_576 = arith.select %gt3A_571, %broadcast_in_dim3A_575, %select_n3A_522 : vector<16xi1>, vector<16xi32>
      %add3A_577 = arith.constant 512 : i32
      %add3A_578 = arith.addi %scan3A_550, %add3A_577 : i32
      %mul3A_579 = arith.constant 16 : i32
      %mul3A_580 = arith.muli %add3A_578, %mul3A_579 : i32
      %get3A_581 = arith.index_cast %mul3A_580 : i32 to index
      %get3A_582 = tpu.vector_load %arg4[%get3A_581] {strides = array<i32>} : memref<16384xf32, #tpu.memory_space<vmem>>, vector<16xf32>,
      %get3A_583 = vector.shape_cast %get3A_582 : vector<16xf32> to vector<16xf32>
      %gt3A_584 = arith.cmpf ogt, %get3A_583, %select_n3A_531 : vector<16xf32>
      %select_n3A_585 = arith.select %gt3A_584, %get3A_583, %select_n3A_531 : vector<16xi1>, vector<16xf32>
      %add3A_586 = arith.constant 0 : i32
      %add3A_587 = arith.addi %add3A_578, %add3A_586 : i32
      %broadcast_in_dim3A_588 = vector.broadcast %add3A_587 : i32 to vector<16xi32>
      %select_n3A_589 = arith.select %gt3A_584, %broadcast_in_dim3A_588, %select_n3A_535 : vector<16xi1>, vector<16xi32>
      %add3A_590 = arith.constant 768 : i32
      %add3A_591 = arith.addi %scan3A_550, %add3A_590 : i32
      %mul3A_592 = arith.constant 16 : i32
      %mul3A_593 = arith.muli %add3A_591, %mul3A_592 : i32
      %get3A_594 = arith.index_cast %mul3A_593 : i32 to index
      %get3A_595 = tpu.vector_load %arg4[%get3A_594] {strides = array<i32>} : memref<16384xf32, #tpu.memory_space<vmem>>, vector<16xf32>,
      %get3A_596 = vector.shape_cast %get3A_595 : vector<16xf32> to vector<16xf32>
      %gt3A_597 = arith.cmpf ogt, %get3A_596, %select_n3A_544 : vector<16xf32>
      %select_n3A_598 = arith.select %gt3A_597, %get3A_596, %select_n3A_544 : vector<16xi1>, vector<16xf32>
      %add3A_599 = arith.constant 0 : i32
      %add3A_600 = arith.addi %add3A_591, %add3A_599 : i32
      %broadcast_in_dim3A_601 = vector.broadcast %add3A_600 : i32 to vector<16xi32>
      %select_n3A_602 = arith.select %gt3A_597, %broadcast_in_dim3A_601, %select_n3A_548 : vector<16xi1>, vector<16xi32>
      %scan3A_603 = arith.constant 3 : i32
      %scan3A_604 = arith.addi %scan3A_435, %scan3A_603 : i32
      %add3A_605 = arith.constant 0 : i32
      %add3A_606 = arith.addi %scan3A_604, %add3A_605 : i32
      %mul3A_607 = arith.constant 16 : i32
      %mul3A_608 = arith.muli %add3A_606, %mul3A_607 : i32
      %get3A_609 = arith.index_cast %mul3A_608 : i32 to index
      %get3A_610 = tpu.vector_load %arg4[%get3A_609] {strides = array<i32>} : memref<16384xf32, #tpu.memory_space<vmem>>, vector<16xf32>,
      %get3A_611 = vector.shape_cast %get3A_610 : vector<16xf32> to vector<16xf32>
      %gt3A_612 = arith.cmpf ogt, %get3A_611, %select_n3A_559 : vector<16xf32>
      %select_n3A_613 = arith.select %gt3A_612, %get3A_611, %select_n3A_559 : vector<16xi1>, vector<16xf32>
      %add3A_614 = arith.constant 0 : i32
      %add3A_615 = arith.addi %add3A_606, %add3A_614 : i32
      %broadcast_in_dim3A_616 = vector.broadcast %add3A_615 : i32 to vector<16xi32>
      %select_n3A_617 = arith.select %gt3A_612, %broadcast_in_dim3A_616, %select_n3A_563 : vector<16xi1>, vector<16xi32>
      %add3A_618 = arith.constant 256 : i32
      %add3A_619 = arith.addi %scan3A_604, %add3A_618 : i32
      %mul3A_620 = arith.constant 16 : i32
      %mul3A_621 = arith.muli %add3A_619, %mul3A_620 : i32
      %get3A_622 = arith.index_cast %mul3A_621 : i32 to index
      %get3A_623 = tpu.vector_load %arg4[%get3A_622] {strides = array<i32>} : memref<16384xf32, #tpu.memory_space<vmem>>, vector<16xf32>,
      %get3A_624 = vector.shape_cast %get3A_623 : vector<16xf32> to vector<16xf32>
      %gt3A_625 = arith.cmpf ogt, %get3A_624, %select_n3A_572 : vector<16xf32>
      %select_n3A_626 = arith.select %gt3A_625, %get3A_624, %select_n3A_572 : vector<16xi1>, vector<16xf32>
      %add3A_627 = arith.constant 0 : i32
      %add3A_628 = arith.addi %add3A_619, %add3A_627 : i32
      %broadcast_in_dim3A_629 = vector.broadcast %add3A_628 : i32 to vector<16xi32>
      %select_n3A_630 = arith.select %gt3A_625, %broadcast_in_dim3A_629, %select_n3A_576 : vector<16xi1>, vector<16xi32>
      %add3A_631 = arith.constant 512 : i32
      %add3A_632 = arith.addi %scan3A_604, %add3A_631 : i32
      %mul3A_633 = arith.constant 16 : i32
      %mul3A_634 = arith.muli %add3A_632, %mul3A_633 : i32
      %get3A_635 = arith.index_cast %mul3A_634 : i32 to index
      %get3A_636 = tpu.vector_load %arg4[%get3A_635] {strides = array<i32>} : memref<16384xf32, #tpu.memory_space<vmem>>, vector<16xf32>,
      %get3A_637 = vector.shape_cast %get3A_636 : vector<16xf32> to vector<16xf32>
      %gt3A_638 = arith.cmpf ogt, %get3A_637, %select_n3A_585 : vector<16xf32>
      %select_n3A_639 = arith.select %gt3A_638, %get3A_637, %select_n3A_585 : vector<16xi1>, vector<16xf32>
      %add3A_640 = arith.constant 0 : i32
      %add3A_641 = arith.addi %add3A_632, %add3A_640 : i32
      %broadcast_in_dim3A_642 = vector.broadcast %add3A_641 : i32 to vector<16xi32>
      %select_n3A_643 = arith.select %gt3A_638, %broadcast_in_dim3A_642, %select_n3A_589 : vector<16xi1>, vector<16xi32>
      %add3A_644 = arith.constant 768 : i32
      %add3A_645 = arith.addi %scan3A_604, %add3A_644 : i32
      %mul3A_646 = arith.constant 16 : i32
      %mul3A_647 = arith.muli %add3A_645, %mul3A_646 : i32
      %get3A_648 = arith.index_cast %mul3A_647 : i32 to index
      %get3A_649 = tpu.vector_load %arg4[%get3A_648] {strides = array<i32>} : memref<16384xf32, #tpu.memory_space<vmem>>, vector<16xf32>,
      %get3A_650 = vector.shape_cast %get3A_649 : vector<16xf32> to vector<16xf32>
      %gt3A_651 = arith.cmpf ogt, %get3A_650, %select_n3A_598 : vector<16xf32>
      %select_n3A_652 = arith.select %gt3A_651, %get3A_650, %select_n3A_598 : vector<16xi1>, vector<16xf32>
      %add3A_653 = arith.constant 0 : i32
      %add3A_654 = arith.addi %add3A_645, %add3A_653 : i32
      %broadcast_in_dim3A_655 = vector.broadcast %add3A_654 : i32 to vector<16xi32>
      %select_n3A_656 = arith.select %gt3A_651, %broadcast_in_dim3A_655, %select_n3A_602 : vector<16xi1>, vector<16xi32>
      scf.yield %select_n3A_613, %select_n3A_626, %select_n3A_639, %select_n3A_652, %select_n3A_617, %select_n3A_630, %select_n3A_643, %select_n3A_656 : vector<16xf32>, vector<16xf32>, vector<16xf32>, vector<16xf32>, vector<16xi32>, vector<16xi32>, vector<16xi32>, vector<16xi32>
    }
    %scan3A_52 = arith.constant 256 : i32
    %gt3A = arith.cmpf ogt, %scan3A_51#1, %scan3A_51#0 : vector<16xf32>
    %select_n3A = arith.select %gt3A, %scan3A_51#1, %scan3A_51#0 : vector<16xi1>, vector<16xf32>
    %select_n3A_53 = arith.select %gt3A, %scan3A_51#5, %scan3A_51#4 : vector<16xi1>, vector<16xi32>
    %gt3A_54 = arith.cmpf ogt, %scan3A_51#2, %select_n3A : vector<16xf32>
    %select_n3A_55 = arith.select %gt3A_54, %scan3A_51#2, %select_n3A : vector<16xi1>, vector<16xf32>
    %select_n3A_56 = arith.select %gt3A_54, %scan3A_51#6, %select_n3A_53 : vector<16xi1>, vector<16xi32>
    %gt3A_57 = arith.cmpf ogt, %scan3A_51#3, %select_n3A_55 : vector<16xf32>
    %select_n3A_58 = arith.select %gt3A_57, %scan3A_51#3, %select_n3A_55 : vector<16xi1>, vector<16xf32>
    %select_n3A_59 = arith.select %gt3A_57, %scan3A_51#7, %select_n3A_56 : vector<16xi1>, vector<16xi32>
    %add3A_60 = arith.constant 1 : i32
    %add3A_61 = arith.addi %mul3A_2, %add3A_60 : i32
    %dma_start3A_62 = arith.constant 16384 : i32
    %dma_start3A_63 = tpu.memref_slice %arg2[%add3A_61, %dma_start3A_62] : memref<128x32768xf32, #tpu.memory_space<hbm>> -> memref<1x16384xf32, #tpu.memory_space<hbm>>
    %dma_start3A_64 = tpu.memref_squeeze %dma_start3A_63 : memref<1x16384xf32, #tpu.memory_space<hbm>> -> memref<16384xf32, #tpu.memory_space<hbm>>
    %dma_start3A_65 = arith.constant 16384 : i32
    %dma_start3A_66 = tpu.memref_slice %arg2[%add3A_61, %dma_start3A_65] : memref<128x32768xf32, #tpu.memory_space<hbm>> -> memref<1x16384xf32, #tpu.memory_space<hbm>>
    %dma_start3A_67 = tpu.memref_squeeze %dma_start3A_66 : memref<1x16384xf32, #tpu.memory_space<hbm>> -> memref<16384xf32, #tpu.memory_space<hbm>>
    tpu.enqueue_dma source(%dma_start3A_67 : memref<16384xf32, #tpu.memory_space<hbm>>) target(%arg4 : memref<16384xf32, #tpu.memory_space<vmem>>) target_semaphore(%arg11 : memref<!tpu.dma_semaphore, #tpu.memory_space<semaphore_mem>>)
    %dma_wait3A_68 = arith.constant 16384 : i32
    %dma_wait3A_69 = tpu.memref_slice %arg2[%add3A_11, %dma_wait3A_68] : memref<128x32768xf32, #tpu.memory_space<hbm>> -> memref<1x16384xf32, #tpu.memory_space<hbm>>
    %dma_wait3A_70 = tpu.memref_squeeze %dma_wait3A_69 : memref<1x16384xf32, #tpu.memory_space<hbm>> -> memref<16384xf32, #tpu.memory_space<hbm>>
    %dma_wait3A_71 = arith.constant 16384 : i32
    %dma_wait3A_72 = tpu.memref_slice %arg2[%add3A_11, %dma_wait3A_71] : memref<128x32768xf32, #tpu.memory_space<hbm>> -> memref<1x16384xf32, #tpu.memory_space<hbm>>
    %dma_wait3A_73 = tpu.memref_squeeze %dma_wait3A_72 : memref<1x16384xf32, #tpu.memory_space<hbm>> -> memref<16384xf32, #tpu.memory_space<hbm>>
    tpu.wait_dma2 semaphore(%arg12 : memref<!tpu.dma_semaphore, #tpu.memory_space<semaphore_mem>>) src(%dma_wait3A_73 : memref<16384xf32, #tpu.memory_space<hbm>>) dst(%arg5 : memref<16384xf32, #tpu.memory_space<vmem>>)
    %broadcast_in_dim3A_74 = arith.constant 0xFF800000 : f32
    %broadcast_in_dim3A_75 = vector.broadcast %broadcast_in_dim3A_74 : f32 to vector<16xf32>
    %broadcast_in_dim3A_76 = arith.constant 0xFF800000 : f32
    %broadcast_in_dim3A_77 = vector.broadcast %broadcast_in_dim3A_76 : f32 to vector<16xf32>
    %broadcast_in_dim3A_78 = arith.constant 0xFF800000 : f32
    %broadcast_in_dim3A_79 = vector.broadcast %broadcast_in_dim3A_78 : f32 to vector<16xf32>
    %broadcast_in_dim3A_80 = arith.constant 0xFF800000 : f32
    %broadcast_in_dim3A_81 = vector.broadcast %broadcast_in_dim3A_80 : f32 to vector<16xf32>
    %broadcast_in_dim3A_82 = arith.constant 0 : i32
    %broadcast_in_dim3A_83 = vector.broadcast %broadcast_in_dim3A_82 : i32 to vector<16xi32>
    %broadcast_in_dim3A_84 = arith.constant 0 : i32
    %broadcast_in_dim3A_85 = vector.broadcast %broadcast_in_dim3A_84 : i32 to vector<16xi32>
    %broadcast_in_dim3A_86 = arith.constant 0 : i32
    %broadcast_in_dim3A_87 = vector.broadcast %broadcast_in_dim3A_86 : i32 to vector<16xi32>
    %broadcast_in_dim3A_88 = arith.constant 0 : i32
    %broadcast_in_dim3A_89 = vector.broadcast %broadcast_in_dim3A_88 : i32 to vector<16xi32>
    %scan3A_90 = arith.constant 0 : i32
    %scan3A_91 = arith.constant 256 : i32
    %scan3A_92 = arith.addi %scan3A_90, %scan3A_91 : i32
    %scan3A_93 = arith.constant 4 : i32
    %scan3A_94:8 = scf.for %scan3A_435 = %scan3A_90 to %scan3A_92 step %scan3A_93 iter_args(%scan3A_436 = %broadcast_in_dim3A_75, %scan3A_437 = %broadcast_in_dim3A_77, %scan3A_438 = %broadcast_in_dim3A_79, %scan3A_439 = %broadcast_in_dim3A_81, %scan3A_440 = %broadcast_in_dim3A_83, %scan3A_441 = %broadcast_in_dim3A_85, %scan3A_442 = %broadcast_in_dim3A_87, %scan3A_443 = %broadcast_in_dim3A_89) -> (vector<16xf32>, vector<16xf32>, vector<16xf32>, vector<16xf32>, vector<16xi32>, vector<16xi32>, vector<16xi32>, vector<16xi32>)  : i32 {
      %add3A_444 = arith.constant 0 : i32
      %add3A_445 = arith.addi %scan3A_435, %add3A_444 : i32
      %mul3A_446 = arith.constant 16 : i32
      %mul3A_447 = arith.muli %add3A_445, %mul3A_446 : i32
      %get3A = arith.index_cast %mul3A_447 : i32 to index
      %get3A_448 = tpu.vector_load %arg5[%get3A] {strides = array<i32>} : memref<16384xf32, #tpu.memory_space<vmem>>, vector<16xf32>,
      %get3A_449 = vector.shape_cast %get3A_448 : vector<16xf32> to vector<16xf32>
      %gt3A_450 = arith.cmpf ogt, %get3A_449, %scan3A_436 : vector<16xf32>
      %select_n3A_451 = arith.select %gt3A_450, %get3A_449, %scan3A_436 : vector<16xi1>, vector<16xf32>
      %add3A_452 = arith.constant 1024 : i32
      %add3A_453 = arith.addi %add3A_445, %add3A_452 : i32
      %broadcast_in_dim3A_454 = vector.broadcast %add3A_453 : i32 to vector<16xi32>
      %select_n3A_455 = arith.select %gt3A_450, %broadcast_in_dim3A_454, %scan3A_440 : vector<16xi1>, vector<16xi32>
      %add3A_456 = arith.constant 256 : i32
      %add3A_457 = arith.addi %scan3A_435, %add3A_456 : i32
      %mul3A_458 = arith.constant 16 : i32
      %mul3A_459 = arith.muli %add3A_457, %mul3A_458 : i32
      %get3A_460 = arith.index_cast %mul3A_459 : i32 to index
      %get3A_461 = tpu.vector_load %arg5[%get3A_460] {strides = array<i32>} : memref<16384xf32, #tpu.memory_space<vmem>>, vector<16xf32>,
      %get3A_462 = vector.shape_cast %get3A_461 : vector<16xf32> to vector<16xf32>
      %gt3A_463 = arith.cmpf ogt, %get3A_462, %scan3A_437 : vector<16xf32>
      %select_n3A_464 = arith.select %gt3A_463, %get3A_462, %scan3A_437 : vector<16xi1>, vector<16xf32>
      %add3A_465 = arith.constant 1024 : i32
      %add3A_466 = arith.addi %add3A_457, %add3A_465 : i32
      %broadcast_in_dim3A_467 = vector.broadcast %add3A_466 : i32 to vector<16xi32>
      %select_n3A_468 = arith.select %gt3A_463, %broadcast_in_dim3A_467, %scan3A_441 : vector<16xi1>, vector<16xi32>
      %add3A_469 = arith.constant 512 : i32
      %add3A_470 = arith.addi %scan3A_435, %add3A_469 : i32
      %mul3A_471 = arith.constant 16 : i32
      %mul3A_472 = arith.muli %add3A_470, %mul3A_471 : i32
      %get3A_473 = arith.index_cast %mul3A_472 : i32 to index
      %get3A_474 = tpu.vector_load %arg5[%get3A_473] {strides = array<i32>} : memref<16384xf32, #tpu.memory_space<vmem>>, vector<16xf32>,
      %get3A_475 = vector.shape_cast %get3A_474 : vector<16xf32> to vector<16xf32>
      %gt3A_476 = arith.cmpf ogt, %get3A_475, %scan3A_438 : vector<16xf32>
      %select_n3A_477 = arith.select %gt3A_476, %get3A_475, %scan3A_438 : vector<16xi1>, vector<16xf32>
      %add3A_478 = arith.constant 1024 : i32
      %add3A_479 = arith.addi %add3A_470, %add3A_478 : i32
      %broadcast_in_dim3A_480 = vector.broadcast %add3A_479 : i32 to vector<16xi32>
      %select_n3A_481 = arith.select %gt3A_476, %broadcast_in_dim3A_480, %scan3A_442 : vector<16xi1>, vector<16xi32>
      %add3A_482 = arith.constant 768 : i32
      %add3A_483 = arith.addi %scan3A_435, %add3A_482 : i32
      %mul3A_484 = arith.constant 16 : i32
      %mul3A_485 = arith.muli %add3A_483, %mul3A_484 : i32
      %get3A_486 = arith.index_cast %mul3A_485 : i32 to index
      %get3A_487 = tpu.vector_load %arg5[%get3A_486] {strides = array<i32>} : memref<16384xf32, #tpu.memory_space<vmem>>, vector<16xf32>,
      %get3A_488 = vector.shape_cast %get3A_487 : vector<16xf32> to vector<16xf32>
      %gt3A_489 = arith.cmpf ogt, %get3A_488, %scan3A_439 : vector<16xf32>
      %select_n3A_490 = arith.select %gt3A_489, %get3A_488, %scan3A_439 : vector<16xi1>, vector<16xf32>
      %add3A_491 = arith.constant 1024 : i32
      %add3A_492 = arith.addi %add3A_483, %add3A_491 : i32
      %broadcast_in_dim3A_493 = vector.broadcast %add3A_492 : i32 to vector<16xi32>
      %select_n3A_494 = arith.select %gt3A_489, %broadcast_in_dim3A_493, %scan3A_443 : vector<16xi1>, vector<16xi32>
      %scan3A_495 = arith.constant 1 : i32
      %scan3A_496 = arith.addi %scan3A_435, %scan3A_495 : i32
      %add3A_497 = arith.constant 0 : i32
      %add3A_498 = arith.addi %scan3A_496, %add3A_497 : i32
      %mul3A_499 = arith.constant 16 : i32
      %mul3A_500 = arith.muli %add3A_498, %mul3A_499 : i32
      %get3A_501 = arith.index_cast %mul3A_500 : i32 to index
      %get3A_502 = tpu.vector_load %arg5[%get3A_501] {strides = array<i32>} : memref<16384xf32, #tpu.memory_space<vmem>>, vector<16xf32>,
      %get3A_503 = vector.shape_cast %get3A_502 : vector<16xf32> to vector<16xf32>
      %gt3A_504 = arith.cmpf ogt, %get3A_503, %select_n3A_451 : vector<16xf32>
      %select_n3A_505 = arith.select %gt3A_504, %get3A_503, %select_n3A_451 : vector<16xi1>, vector<16xf32>
      %add3A_506 = arith.constant 1024 : i32
      %add3A_507 = arith.addi %add3A_498, %add3A_506 : i32
      %broadcast_in_dim3A_508 = vector.broadcast %add3A_507 : i32 to vector<16xi32>
      %select_n3A_509 = arith.select %gt3A_504, %broadcast_in_dim3A_508, %select_n3A_455 : vector<16xi1>, vector<16xi32>
      %add3A_510 = arith.constant 256 : i32
      %add3A_511 = arith.addi %scan3A_496, %add3A_510 : i32
      %mul3A_512 = arith.constant 16 : i32
      %mul3A_513 = arith.muli %add3A_511, %mul3A_512 : i32
      %get3A_514 = arith.index_cast %mul3A_513 : i32 to index
      %get3A_515 = tpu.vector_load %arg5[%get3A_514] {strides = array<i32>} : memref<16384xf32, #tpu.memory_space<vmem>>, vector<16xf32>,
      %get3A_516 = vector.shape_cast %get3A_515 : vector<16xf32> to vector<16xf32>
      %gt3A_517 = arith.cmpf ogt, %get3A_516, %select_n3A_464 : vector<16xf32>
      %select_n3A_518 = arith.select %gt3A_517, %get3A_516, %select_n3A_464 : vector<16xi1>, vector<16xf32>
      %add3A_519 = arith.constant 1024 : i32
      %add3A_520 = arith.addi %add3A_511, %add3A_519 : i32
      %broadcast_in_dim3A_521 = vector.broadcast %add3A_520 : i32 to vector<16xi32>
      %select_n3A_522 = arith.select %gt3A_517, %broadcast_in_dim3A_521, %select_n3A_468 : vector<16xi1>, vector<16xi32>
      %add3A_523 = arith.constant 512 : i32
      %add3A_524 = arith.addi %scan3A_496, %add3A_523 : i32
      %mul3A_525 = arith.constant 16 : i32
      %mul3A_526 = arith.muli %add3A_524, %mul3A_525 : i32
      %get3A_527 = arith.index_cast %mul3A_526 : i32 to index
      %get3A_528 = tpu.vector_load %arg5[%get3A_527] {strides = array<i32>} : memref<16384xf32, #tpu.memory_space<vmem>>, vector<16xf32>,
      %get3A_529 = vector.shape_cast %get3A_528 : vector<16xf32> to vector<16xf32>
      %gt3A_530 = arith.cmpf ogt, %get3A_529, %select_n3A_477 : vector<16xf32>
      %select_n3A_531 = arith.select %gt3A_530, %get3A_529, %select_n3A_477 : vector<16xi1>, vector<16xf32>
      %add3A_532 = arith.constant 1024 : i32
      %add3A_533 = arith.addi %add3A_524, %add3A_532 : i32
      %broadcast_in_dim3A_534 = vector.broadcast %add3A_533 : i32 to vector<16xi32>
      %select_n3A_535 = arith.select %gt3A_530, %broadcast_in_dim3A_534, %select_n3A_481 : vector<16xi1>, vector<16xi32>
      %add3A_536 = arith.constant 768 : i32
      %add3A_537 = arith.addi %scan3A_496, %add3A_536 : i32
      %mul3A_538 = arith.constant 16 : i32
      %mul3A_539 = arith.muli %add3A_537, %mul3A_538 : i32
      %get3A_540 = arith.index_cast %mul3A_539 : i32 to index
      %get3A_541 = tpu.vector_load %arg5[%get3A_540] {strides = array<i32>} : memref<16384xf32, #tpu.memory_space<vmem>>, vector<16xf32>,
      %get3A_542 = vector.shape_cast %get3A_541 : vector<16xf32> to vector<16xf32>
      %gt3A_543 = arith.cmpf ogt, %get3A_542, %select_n3A_490 : vector<16xf32>
      %select_n3A_544 = arith.select %gt3A_543, %get3A_542, %select_n3A_490 : vector<16xi1>, vector<16xf32>
      %add3A_545 = arith.constant 1024 : i32
      %add3A_546 = arith.addi %add3A_537, %add3A_545 : i32
      %broadcast_in_dim3A_547 = vector.broadcast %add3A_546 : i32 to vector<16xi32>
      %select_n3A_548 = arith.select %gt3A_543, %broadcast_in_dim3A_547, %select_n3A_494 : vector<16xi1>, vector<16xi32>
      %scan3A_549 = arith.constant 2 : i32
      %scan3A_550 = arith.addi %scan3A_435, %scan3A_549 : i32
      %add3A_551 = arith.constant 0 : i32
      %add3A_552 = arith.addi %scan3A_550, %add3A_551 : i32
      %mul3A_553 = arith.constant 16 : i32
      %mul3A_554 = arith.muli %add3A_552, %mul3A_553 : i32
      %get3A_555 = arith.index_cast %mul3A_554 : i32 to index
      %get3A_556 = tpu.vector_load %arg5[%get3A_555] {strides = array<i32>} : memref<16384xf32, #tpu.memory_space<vmem>>, vector<16xf32>,
      %get3A_557 = vector.shape_cast %get3A_556 : vector<16xf32> to vector<16xf32>
      %gt3A_558 = arith.cmpf ogt, %get3A_557, %select_n3A_505 : vector<16xf32>
      %select_n3A_559 = arith.select %gt3A_558, %get3A_557, %select_n3A_505 : vector<16xi1>, vector<16xf32>
      %add3A_560 = arith.constant 1024 : i32
      %add3A_561 = arith.addi %add3A_552, %add3A_560 : i32
      %broadcast_in_dim3A_562 = vector.broadcast %add3A_561 : i32 to vector<16xi32>
      %select_n3A_563 = arith.select %gt3A_558, %broadcast_in_dim3A_562, %select_n3A_509 : vector<16xi1>, vector<16xi32>
      %add3A_564 = arith.constant 256 : i32
      %add3A_565 = arith.addi %scan3A_550, %add3A_564 : i32
      %mul3A_566 = arith.constant 16 : i32
      %mul3A_567 = arith.muli %add3A_565, %mul3A_566 : i32
      %get3A_568 = arith.index_cast %mul3A_567 : i32 to index
      %get3A_569 = tpu.vector_load %arg5[%get3A_568] {strides = array<i32>} : memref<16384xf32, #tpu.memory_space<vmem>>, vector<16xf32>,
      %get3A_570 = vector.shape_cast %get3A_569 : vector<16xf32> to vector<16xf32>
      %gt3A_571 = arith.cmpf ogt, %get3A_570, %select_n3A_518 : vector<16xf32>
      %select_n3A_572 = arith.select %gt3A_571, %get3A_570, %select_n3A_518 : vector<16xi1>, vector<16xf32>
      %add3A_573 = arith.constant 1024 : i32
      %add3A_574 = arith.addi %add3A_565, %add3A_573 : i32
      %broadcast_in_dim3A_575 = vector.broadcast %add3A_574 : i32 to vector<16xi32>
      %select_n3A_576 = arith.select %gt3A_571, %broadcast_in_dim3A_575, %select_n3A_522 : vector<16xi1>, vector<16xi32>
      %add3A_577 = arith.constant 512 : i32
      %add3A_578 = arith.addi %scan3A_550, %add3A_577 : i32
      %mul3A_579 = arith.constant 16 : i32
      %mul3A_580 = arith.muli %add3A_578, %mul3A_579 : i32
      %get3A_581 = arith.index_cast %mul3A_580 : i32 to index
      %get3A_582 = tpu.vector_load %arg5[%get3A_581] {strides = array<i32>} : memref<16384xf32, #tpu.memory_space<vmem>>, vector<16xf32>,
      %get3A_583 = vector.shape_cast %get3A_582 : vector<16xf32> to vector<16xf32>
      %gt3A_584 = arith.cmpf ogt, %get3A_583, %select_n3A_531 : vector<16xf32>
      %select_n3A_585 = arith.select %gt3A_584, %get3A_583, %select_n3A_531 : vector<16xi1>, vector<16xf32>
      %add3A_586 = arith.constant 1024 : i32
      %add3A_587 = arith.addi %add3A_578, %add3A_586 : i32
      %broadcast_in_dim3A_588 = vector.broadcast %add3A_587 : i32 to vector<16xi32>
      %select_n3A_589 = arith.select %gt3A_584, %broadcast_in_dim3A_588, %select_n3A_535 : vector<16xi1>, vector<16xi32>
      %add3A_590 = arith.constant 768 : i32
      %add3A_591 = arith.addi %scan3A_550, %add3A_590 : i32
      %mul3A_592 = arith.constant 16 : i32
      %mul3A_593 = arith.muli %add3A_591, %mul3A_592 : i32
      %get3A_594 = arith.index_cast %mul3A_593 : i32 to index
      %get3A_595 = tpu.vector_load %arg5[%get3A_594] {strides = array<i32>} : memref<16384xf32, #tpu.memory_space<vmem>>, vector<16xf32>,
      %get3A_596 = vector.shape_cast %get3A_595 : vector<16xf32> to vector<16xf32>
      %gt3A_597 = arith.cmpf ogt, %get3A_596, %select_n3A_544 : vector<16xf32>
      %select_n3A_598 = arith.select %gt3A_597, %get3A_596, %select_n3A_544 : vector<16xi1>, vector<16xf32>
      %add3A_599 = arith.constant 1024 : i32
      %add3A_600 = arith.addi %add3A_591, %add3A_599 : i32
      %broadcast_in_dim3A_601 = vector.broadcast %add3A_600 : i32 to vector<16xi32>
      %select_n3A_602 = arith.select %gt3A_597, %broadcast_in_dim3A_601, %select_n3A_548 : vector<16xi1>, vector<16xi32>
      %scan3A_603 = arith.constant 3 : i32
      %scan3A_604 = arith.addi %scan3A_435, %scan3A_603 : i32
      %add3A_605 = arith.constant 0 : i32
      %add3A_606 = arith.addi %scan3A_604, %add3A_605 : i32
      %mul3A_607 = arith.constant 16 : i32
      %mul3A_608 = arith.muli %add3A_606, %mul3A_607 : i32
      %get3A_609 = arith.index_cast %mul3A_608 : i32 to index
      %get3A_610 = tpu.vector_load %arg5[%get3A_609] {strides = array<i32>} : memref<16384xf32, #tpu.memory_space<vmem>>, vector<16xf32>,
      %get3A_611 = vector.shape_cast %get3A_610 : vector<16xf32> to vector<16xf32>
      %gt3A_612 = arith.cmpf ogt, %get3A_611, %select_n3A_559 : vector<16xf32>
      %select_n3A_613 = arith.select %gt3A_612, %get3A_611, %select_n3A_559 : vector<16xi1>, vector<16xf32>
      %add3A_614 = arith.constant 1024 : i32
      %add3A_615 = arith.addi %add3A_606, %add3A_614 : i32
      %broadcast_in_dim3A_616 = vector.broadcast %add3A_615 : i32 to vector<16xi32>
      %select_n3A_617 = arith.select %gt3A_612, %broadcast_in_dim3A_616, %select_n3A_563 : vector<16xi1>, vector<16xi32>
      %add3A_618 = arith.constant 256 : i32
      %add3A_619 = arith.addi %scan3A_604, %add3A_618 : i32
      %mul3A_620 = arith.constant 16 : i32
      %mul3A_621 = arith.muli %add3A_619, %mul3A_620 : i32
      %get3A_622 = arith.index_cast %mul3A_621 : i32 to index
      %get3A_623 = tpu.vector_load %arg5[%get3A_622] {strides = array<i32>} : memref<16384xf32, #tpu.memory_space<vmem>>, vector<16xf32>,
      %get3A_624 = vector.shape_cast %get3A_623 : vector<16xf32> to vector<16xf32>
      %gt3A_625 = arith.cmpf ogt, %get3A_624, %select_n3A_572 : vector<16xf32>
      %select_n3A_626 = arith.select %gt3A_625, %get3A_624, %select_n3A_572 : vector<16xi1>, vector<16xf32>
      %add3A_627 = arith.constant 1024 : i32
      %add3A_628 = arith.addi %add3A_619, %add3A_627 : i32
      %broadcast_in_dim3A_629 = vector.broadcast %add3A_628 : i32 to vector<16xi32>
      %select_n3A_630 = arith.select %gt3A_625, %broadcast_in_dim3A_629, %select_n3A_576 : vector<16xi1>, vector<16xi32>
      %add3A_631 = arith.constant 512 : i32
      %add3A_632 = arith.addi %scan3A_604, %add3A_631 : i32
      %mul3A_633 = arith.constant 16 : i32
      %mul3A_634 = arith.muli %add3A_632, %mul3A_633 : i32
      %get3A_635 = arith.index_cast %mul3A_634 : i32 to index
      %get3A_636 = tpu.vector_load %arg5[%get3A_635] {strides = array<i32>} : memref<16384xf32, #tpu.memory_space<vmem>>, vector<16xf32>,
      %get3A_637 = vector.shape_cast %get3A_636 : vector<16xf32> to vector<16xf32>
      %gt3A_638 = arith.cmpf ogt, %get3A_637, %select_n3A_585 : vector<16xf32>
      %select_n3A_639 = arith.select %gt3A_638, %get3A_637, %select_n3A_585 : vector<16xi1>, vector<16xf32>
      %add3A_640 = arith.constant 1024 : i32
      %add3A_641 = arith.addi %add3A_632, %add3A_640 : i32
      %broadcast_in_dim3A_642 = vector.broadcast %add3A_641 : i32 to vector<16xi32>
      %select_n3A_643 = arith.select %gt3A_638, %broadcast_in_dim3A_642, %select_n3A_589 : vector<16xi1>, vector<16xi32>
      %add3A_644 = arith.constant 768 : i32
      %add3A_645 = arith.addi %scan3A_604, %add3A_644 : i32
      %mul3A_646 = arith.constant 16 : i32
      %mul3A_647 = arith.muli %add3A_645, %mul3A_646 : i32
      %get3A_648 = arith.index_cast %mul3A_647 : i32 to index
      %get3A_649 = tpu.vector_load %arg5[%get3A_648] {strides = array<i32>} : memref<16384xf32, #tpu.memory_space<vmem>>, vector<16xf32>,
      %get3A_650 = vector.shape_cast %get3A_649 : vector<16xf32> to vector<16xf32>
      %gt3A_651 = arith.cmpf ogt, %get3A_650, %select_n3A_598 : vector<16xf32>
      %select_n3A_652 = arith.select %gt3A_651, %get3A_650, %select_n3A_598 : vector<16xi1>, vector<16xf32>
      %add3A_653 = arith.constant 1024 : i32
      %add3A_654 = arith.addi %add3A_645, %add3A_653 : i32
      %broadcast_in_dim3A_655 = vector.broadcast %add3A_654 : i32 to vector<16xi32>
      %select_n3A_656 = arith.select %gt3A_651, %broadcast_in_dim3A_655, %select_n3A_602 : vector<16xi1>, vector<16xi32>
      scf.yield %select_n3A_613, %select_n3A_626, %select_n3A_639, %select_n3A_652, %select_n3A_617, %select_n3A_630, %select_n3A_643, %select_n3A_656 : vector<16xf32>, vector<16xf32>, vector<16xf32>, vector<16xf32>, vector<16xi32>, vector<16xi32>, vector<16xi32>, vector<16xi32>
    }
    %scan3A_95 = arith.constant 256 : i32
    %gt3A_96 = arith.cmpf ogt, %scan3A_94#0, %select_n3A_58 : vector<16xf32>
    %select_n3A_97 = arith.select %gt3A_96, %scan3A_94#0, %select_n3A_58 : vector<16xi1>, vector<16xf32>
    %select_n3A_98 = arith.select %gt3A_96, %scan3A_94#4, %select_n3A_59 : vector<16xi1>, vector<16xi32>
    %gt3A_99 = arith.cmpf ogt, %scan3A_94#1, %select_n3A_97 : vector<16xf32>
    %select_n3A_100 = arith.select %gt3A_99, %scan3A_94#1, %select_n3A_97 : vector<16xi1>, vector<16xf32>
    %select_n3A_101 = arith.select %gt3A_99, %scan3A_94#5, %select_n3A_98 : vector<16xi1>, vector<16xi32>
    %gt3A_102 = arith.cmpf ogt, %scan3A_94#2, %select_n3A_100 : vector<16xf32>
    %select_n3A_103 = arith.select %gt3A_102, %scan3A_94#2, %select_n3A_100 : vector<16xi1>, vector<16xf32>
    %select_n3A_104 = arith.select %gt3A_102, %scan3A_94#6, %select_n3A_101 : vector<16xi1>, vector<16xi32>
    %gt3A_105 = arith.cmpf ogt, %scan3A_94#3, %select_n3A_103 : vector<16xf32>
    %select_n3A_106 = arith.select %gt3A_105, %scan3A_94#3, %select_n3A_103 : vector<16xi1>, vector<16xf32>
    %select_n3A_107 = arith.select %gt3A_105, %scan3A_94#7, %select_n3A_104 : vector<16xi1>, vector<16xi32>
    %xor3A = arith.constant 1 : i32
    %xor3A_108 = vector.broadcast %xor3A : i32 to vector<16xi32>
    %xor3A_109 = arith.xori %iota3A, %xor3A_108 : vector<16xi32>
    %lt3A = arith.constant 0 : i32
    %lt3A_110 = vector.broadcast %lt3A : i32 to vector<16xi32>
    %lt3A_111 = arith.cmpi slt, %xor3A_109, %lt3A_110 : vector<16xi32>
    %add3A_112 = arith.constant 16 : i32
    %add3A_113 = vector.broadcast %add3A_112 : i32 to vector<16xi32>
    %add3A_114 = arith.addi %xor3A_109, %add3A_113 : vector<16xi32>
    %select_n3A_115 = arith.select %lt3A_111, %add3A_114, %xor3A_109 : vector<16xi1>, vector<16xi32>
    %broadcast_in_dim3A_116 = vector.shape_cast %select_n3A_115 : vector<16xi32> to vector<16x1xi32>
    %gather3A = vector.shape_cast %broadcast_in_dim3A_116 : vector<16x1xi32> to vector<16xi32>
    %gather3A_117 = tpu.dynamic_gather %select_n3A_106[%gather3A] in [0] : vector<16xf32>, vector<16xi32> -> vector<16xf32>
    %max3A = arith.maximumf %select_n3A_106, %gather3A_117 : vector<16xf32>
    %xor3A_118 = arith.constant 2 : i32
    %xor3A_119 = vector.broadcast %xor3A_118 : i32 to vector<16xi32>
    %xor3A_120 = arith.xori %iota3A, %xor3A_119 : vector<16xi32>
    %lt3A_121 = arith.constant 0 : i32
    %lt3A_122 = vector.broadcast %lt3A_121 : i32 to vector<16xi32>
    %lt3A_123 = arith.cmpi slt, %xor3A_120, %lt3A_122 : vector<16xi32>
    %add3A_124 = arith.constant 16 : i32
    %add3A_125 = vector.broadcast %add3A_124 : i32 to vector<16xi32>
    %add3A_126 = arith.addi %xor3A_120, %add3A_125 : vector<16xi32>
    %select_n3A_127 = arith.select %lt3A_123, %add3A_126, %xor3A_120 : vector<16xi1>, vector<16xi32>
    %broadcast_in_dim3A_128 = vector.shape_cast %select_n3A_127 : vector<16xi32> to vector<16x1xi32>
    %gather3A_129 = vector.shape_cast %broadcast_in_dim3A_128 : vector<16x1xi32> to vector<16xi32>
    %gather3A_130 = tpu.dynamic_gather %max3A[%gather3A_129] in [0] : vector<16xf32>, vector<16xi32> -> vector<16xf32>
    %max3A_131 = arith.maximumf %max3A, %gather3A_130 : vector<16xf32>
    %xor3A_132 = arith.constant 4 : i32
    %xor3A_133 = vector.broadcast %xor3A_132 : i32 to vector<16xi32>
    %xor3A_134 = arith.xori %iota3A, %xor3A_133 : vector<16xi32>
    %lt3A_135 = arith.constant 0 : i32
    %lt3A_136 = vector.broadcast %lt3A_135 : i32 to vector<16xi32>
    %lt3A_137 = arith.cmpi slt, %xor3A_134, %lt3A_136 : vector<16xi32>
    %add3A_138 = arith.constant 16 : i32
    %add3A_139 = vector.broadcast %add3A_138 : i32 to vector<16xi32>
    %add3A_140 = arith.addi %xor3A_134, %add3A_139 : vector<16xi32>
    %select_n3A_141 = arith.select %lt3A_137, %add3A_140, %xor3A_134 : vector<16xi1>, vector<16xi32>
    %broadcast_in_dim3A_142 = vector.shape_cast %select_n3A_141 : vector<16xi32> to vector<16x1xi32>
    %gather3A_143 = vector.shape_cast %broadcast_in_dim3A_142 : vector<16x1xi32> to vector<16xi32>
    %gather3A_144 = tpu.dynamic_gather %max3A_131[%gather3A_143] in [0] : vector<16xf32>, vector<16xi32> -> vector<16xf32>
    %max3A_145 = arith.maximumf %max3A_131, %gather3A_144 : vector<16xf32>
    %xor3A_146 = arith.constant 8 : i32
    %xor3A_147 = vector.broadcast %xor3A_146 : i32 to vector<16xi32>
    %xor3A_148 = arith.xori %iota3A, %xor3A_147 : vector<16xi32>
    %lt3A_149 = arith.constant 0 : i32
    %lt3A_150 = vector.broadcast %lt3A_149 : i32 to vector<16xi32>
    %lt3A_151 = arith.cmpi slt, %xor3A_148, %lt3A_150 : vector<16xi32>
    %add3A_152 = arith.constant 16 : i32
    %add3A_153 = vector.broadcast %add3A_152 : i32 to vector<16xi32>
    %add3A_154 = arith.addi %xor3A_148, %add3A_153 : vector<16xi32>
    %select_n3A_155 = arith.select %lt3A_151, %add3A_154, %xor3A_148 : vector<16xi1>, vector<16xi32>
    %broadcast_in_dim3A_156 = vector.shape_cast %select_n3A_155 : vector<16xi32> to vector<16x1xi32>
    %gather3A_157 = vector.shape_cast %broadcast_in_dim3A_156 : vector<16x1xi32> to vector<16xi32>
    %gather3A_158 = tpu.dynamic_gather %max3A_145[%gather3A_157] in [0] : vector<16xf32>, vector<16xi32> -> vector<16xf32>
    %max3A_159 = arith.maximumf %max3A_145, %gather3A_158 : vector<16xf32>
    %mul3A_160 = arith.constant 16 : i32
    %mul3A_161 = vector.broadcast %mul3A_160 : i32 to vector<16xi32>
    %mul3A_162 = arith.muli %select_n3A_107, %mul3A_161 : vector<16xi32>
    %add3A_163 = arith.addi %mul3A_162, %iota3A : vector<16xi32>
    %eq3A = arith.cmpf oeq, %select_n3A_106, %max3A_159 : vector<16xf32>
    %broadcast_in_dim3A_164 = arith.constant 2147483647 : i32
    %broadcast_in_dim3A_165 = vector.broadcast %broadcast_in_dim3A_164 : i32 to vector<16xi32>
    %select_n3A_166 = arith.select %eq3A, %add3A_163, %broadcast_in_dim3A_165 : vector<16xi1>, vector<16xi32>
    %xor3A_167 = arith.constant 1 : i32
    %xor3A_168 = vector.broadcast %xor3A_167 : i32 to vector<16xi32>
    %xor3A_169 = arith.xori %iota3A, %xor3A_168 : vector<16xi32>
    %lt3A_170 = arith.constant 0 : i32
    %lt3A_171 = vector.broadcast %lt3A_170 : i32 to vector<16xi32>
    %lt3A_172 = arith.cmpi slt, %xor3A_169, %lt3A_171 : vector<16xi32>
    %add3A_173 = arith.constant 16 : i32
    %add3A_174 = vector.broadcast %add3A_173 : i32 to vector<16xi32>
    %add3A_175 = arith.addi %xor3A_169, %add3A_174 : vector<16xi32>
    %select_n3A_176 = arith.select %lt3A_172, %add3A_175, %xor3A_169 : vector<16xi1>, vector<16xi32>
    %broadcast_in_dim3A_177 = vector.shape_cast %select_n3A_176 : vector<16xi32> to vector<16x1xi32>
    %gather3A_178 = vector.shape_cast %broadcast_in_dim3A_177 : vector<16x1xi32> to vector<16xi32>
    %gather3A_179 = tpu.dynamic_gather %select_n3A_166[%gather3A_178] in [0] : vector<16xi32>, vector<16xi32> -> vector<16xi32>
    %min3A = arith.minsi %select_n3A_166, %gather3A_179 : vector<16xi32>
    %xor3A_180 = arith.constant 2 : i32
    %xor3A_181 = vector.broadcast %xor3A_180 : i32 to vector<16xi32>
    %xor3A_182 = arith.xori %iota3A, %xor3A_181 : vector<16xi32>
    %lt3A_183 = arith.constant 0 : i32
    %lt3A_184 = vector.broadcast %lt3A_183 : i32 to vector<16xi32>
    %lt3A_185 = arith.cmpi slt, %xor3A_182, %lt3A_184 : vector<16xi32>
    %add3A_186 = arith.constant 16 : i32
    %add3A_187 = vector.broadcast %add3A_186 : i32 to vector<16xi32>
    %add3A_188 = arith.addi %xor3A_182, %add3A_187 : vector<16xi32>
    %select_n3A_189 = arith.select %lt3A_185, %add3A_188, %xor3A_182 : vector<16xi1>, vector<16xi32>
    %broadcast_in_dim3A_190 = vector.shape_cast %select_n3A_189 : vector<16xi32> to vector<16x1xi32>
    %gather3A_191 = vector.shape_cast %broadcast_in_dim3A_190 : vector<16x1xi32> to vector<16xi32>
    %gather3A_192 = tpu.dynamic_gather %min3A[%gather3A_191] in [0] : vector<16xi32>, vector<16xi32> -> vector<16xi32>
    %min3A_193 = arith.minsi %min3A, %gather3A_192 : vector<16xi32>
    %xor3A_194 = arith.constant 4 : i32
    %xor3A_195 = vector.broadcast %xor3A_194 : i32 to vector<16xi32>
    %xor3A_196 = arith.xori %iota3A, %xor3A_195 : vector<16xi32>
    %lt3A_197 = arith.constant 0 : i32
    %lt3A_198 = vector.broadcast %lt3A_197 : i32 to vector<16xi32>
    %lt3A_199 = arith.cmpi slt, %xor3A_196, %lt3A_198 : vector<16xi32>
    %add3A_200 = arith.constant 16 : i32
    %add3A_201 = vector.broadcast %add3A_200 : i32 to vector<16xi32>
    %add3A_202 = arith.addi %xor3A_196, %add3A_201 : vector<16xi32>
    %select_n3A_203 = arith.select %lt3A_199, %add3A_202, %xor3A_196 : vector<16xi1>, vector<16xi32>
    %broadcast_in_dim3A_204 = vector.shape_cast %select_n3A_203 : vector<16xi32> to vector<16x1xi32>
    %gather3A_205 = vector.shape_cast %broadcast_in_dim3A_204 : vector<16x1xi32> to vector<16xi32>
    %gather3A_206 = tpu.dynamic_gather %min3A_193[%gather3A_205] in [0] : vector<16xi32>, vector<16xi32> -> vector<16xi32>
    %min3A_207 = arith.minsi %min3A_193, %gather3A_206 : vector<16xi32>
    %xor3A_208 = arith.constant 8 : i32
    %xor3A_209 = vector.broadcast %xor3A_208 : i32 to vector<16xi32>
    %xor3A_210 = arith.xori %iota3A, %xor3A_209 : vector<16xi32>
    %lt3A_211 = arith.constant 0 : i32
    %lt3A_212 = vector.broadcast %lt3A_211 : i32 to vector<16xi32>
    %lt3A_213 = arith.cmpi slt, %xor3A_210, %lt3A_212 : vector<16xi32>
    %add3A_214 = arith.constant 16 : i32
    %add3A_215 = vector.broadcast %add3A_214 : i32 to vector<16xi32>
    %add3A_216 = arith.addi %xor3A_210, %add3A_215 : vector<16xi32>
    %select_n3A_217 = arith.select %lt3A_213, %add3A_216, %xor3A_210 : vector<16xi1>, vector<16xi32>
    %broadcast_in_dim3A_218 = vector.shape_cast %select_n3A_217 : vector<16xi32> to vector<16x1xi32>
    %gather3A_219 = vector.shape_cast %broadcast_in_dim3A_218 : vector<16x1xi32> to vector<16xi32>
    %gather3A_220 = tpu.dynamic_gather %min3A_207[%gather3A_219] in [0] : vector<16xi32>, vector<16xi32> -> vector<16xi32>
    %min3A_221 = arith.minsi %min3A_207, %gather3A_220 : vector<16xi32>
    %eq3A_222 = arith.constant 0 : i32
    %eq3A_223 = vector.broadcast %eq3A_222 : i32 to vector<16xi32>
    %eq3A_224 = arith.cmpi eq, %iota3A, %eq3A_223 : vector<16xi32>
    %select_n3A_225 = arith.select %eq3A_224, %min3A_221, %broadcast_in_dim3A_26 : vector<16xi1>, vector<16xi32>
    %dma_wait3A_226 = arith.constant 0 : i32
    %dma_wait3A_227 = tpu.memref_slice %arg2[%add3A_19, %dma_wait3A_226] : memref<128x32768xf32, #tpu.memory_space<hbm>> -> memref<1x16384xf32, #tpu.memory_space<hbm>>
    %dma_wait3A_228 = tpu.memref_squeeze %dma_wait3A_227 : memref<1x16384xf32, #tpu.memory_space<hbm>> -> memref<16384xf32, #tpu.memory_space<hbm>>
    %dma_wait3A_229 = arith.constant 0 : i32
    %dma_wait3A_230 = tpu.memref_slice %arg2[%add3A_19, %dma_wait3A_229] : memref<128x32768xf32, #tpu.memory_space<hbm>> -> memref<1x16384xf32, #tpu.memory_space<hbm>>
    %dma_wait3A_231 = tpu.memref_squeeze %dma_wait3A_230 : memref<1x16384xf32, #tpu.memory_space<hbm>> -> memref<16384xf32, #tpu.memory_space<hbm>>
    tpu.wait_dma2 semaphore(%arg13 : memref<!tpu.dma_semaphore, #tpu.memory_space<semaphore_mem>>) src(%dma_wait3A_231 : memref<16384xf32, #tpu.memory_space<hbm>>) dst(%arg6 : memref<16384xf32, #tpu.memory_space<vmem>>)
    %broadcast_in_dim3A_232 = arith.constant 0xFF800000 : f32
    %broadcast_in_dim3A_233 = vector.broadcast %broadcast_in_dim3A_232 : f32 to vector<16xf32>
    %broadcast_in_dim3A_234 = arith.constant 0xFF800000 : f32
    %broadcast_in_dim3A_235 = vector.broadcast %broadcast_in_dim3A_234 : f32 to vector<16xf32>
    %broadcast_in_dim3A_236 = arith.constant 0xFF800000 : f32
    %broadcast_in_dim3A_237 = vector.broadcast %broadcast_in_dim3A_236 : f32 to vector<16xf32>
    %broadcast_in_dim3A_238 = arith.constant 0xFF800000 : f32
    %broadcast_in_dim3A_239 = vector.broadcast %broadcast_in_dim3A_238 : f32 to vector<16xf32>
    %broadcast_in_dim3A_240 = arith.constant 0 : i32
    %broadcast_in_dim3A_241 = vector.broadcast %broadcast_in_dim3A_240 : i32 to vector<16xi32>
    %broadcast_in_dim3A_242 = arith.constant 0 : i32
    %broadcast_in_dim3A_243 = vector.broadcast %broadcast_in_dim3A_242 : i32 to vector<16xi32>
    %broadcast_in_dim3A_244 = arith.constant 0 : i32
    %broadcast_in_dim3A_245 = vector.broadcast %broadcast_in_dim3A_244 : i32 to vector<16xi32>
    %broadcast_in_dim3A_246 = arith.constant 0 : i32
    %broadcast_in_dim3A_247 = vector.broadcast %broadcast_in_dim3A_246 : i32 to vector<16xi32>
    %scan3A_248 = arith.constant 0 : i32
    %scan3A_249 = arith.constant 256 : i32
    %scan3A_250 = arith.addi %scan3A_248, %scan3A_249 : i32
    %scan3A_251 = arith.constant 4 : i32
    %scan3A_252:8 = scf.for %scan3A_435 = %scan3A_248 to %scan3A_250 step %scan3A_251 iter_args(%scan3A_436 = %broadcast_in_dim3A_233, %scan3A_437 = %broadcast_in_dim3A_235, %scan3A_438 = %broadcast_in_dim3A_237, %scan3A_439 = %broadcast_in_dim3A_239, %scan3A_440 = %broadcast_in_dim3A_241, %scan3A_441 = %broadcast_in_dim3A_243, %scan3A_442 = %broadcast_in_dim3A_245, %scan3A_443 = %broadcast_in_dim3A_247) -> (vector<16xf32>, vector<16xf32>, vector<16xf32>, vector<16xf32>, vector<16xi32>, vector<16xi32>, vector<16xi32>, vector<16xi32>)  : i32 {
      %add3A_444 = arith.constant 0 : i32
      %add3A_445 = arith.addi %scan3A_435, %add3A_444 : i32
      %mul3A_446 = arith.constant 16 : i32
      %mul3A_447 = arith.muli %add3A_445, %mul3A_446 : i32
      %get3A = arith.index_cast %mul3A_447 : i32 to index
      %get3A_448 = tpu.vector_load %arg6[%get3A] {strides = array<i32>} : memref<16384xf32, #tpu.memory_space<vmem>>, vector<16xf32>,
      %get3A_449 = vector.shape_cast %get3A_448 : vector<16xf32> to vector<16xf32>
      %gt3A_450 = arith.cmpf ogt, %get3A_449, %scan3A_436 : vector<16xf32>
      %select_n3A_451 = arith.select %gt3A_450, %get3A_449, %scan3A_436 : vector<16xi1>, vector<16xf32>
      %add3A_452 = arith.constant 0 : i32
      %add3A_453 = arith.addi %add3A_445, %add3A_452 : i32
      %broadcast_in_dim3A_454 = vector.broadcast %add3A_453 : i32 to vector<16xi32>
      %select_n3A_455 = arith.select %gt3A_450, %broadcast_in_dim3A_454, %scan3A_440 : vector<16xi1>, vector<16xi32>
      %add3A_456 = arith.constant 256 : i32
      %add3A_457 = arith.addi %scan3A_435, %add3A_456 : i32
      %mul3A_458 = arith.constant 16 : i32
      %mul3A_459 = arith.muli %add3A_457, %mul3A_458 : i32
      %get3A_460 = arith.index_cast %mul3A_459 : i32 to index
      %get3A_461 = tpu.vector_load %arg6[%get3A_460] {strides = array<i32>} : memref<16384xf32, #tpu.memory_space<vmem>>, vector<16xf32>,
      %get3A_462 = vector.shape_cast %get3A_461 : vector<16xf32> to vector<16xf32>
      %gt3A_463 = arith.cmpf ogt, %get3A_462, %scan3A_437 : vector<16xf32>
      %select_n3A_464 = arith.select %gt3A_463, %get3A_462, %scan3A_437 : vector<16xi1>, vector<16xf32>
      %add3A_465 = arith.constant 0 : i32
      %add3A_466 = arith.addi %add3A_457, %add3A_465 : i32
      %broadcast_in_dim3A_467 = vector.broadcast %add3A_466 : i32 to vector<16xi32>
      %select_n3A_468 = arith.select %gt3A_463, %broadcast_in_dim3A_467, %scan3A_441 : vector<16xi1>, vector<16xi32>
      %add3A_469 = arith.constant 512 : i32
      %add3A_470 = arith.addi %scan3A_435, %add3A_469 : i32
      %mul3A_471 = arith.constant 16 : i32
      %mul3A_472 = arith.muli %add3A_470, %mul3A_471 : i32
      %get3A_473 = arith.index_cast %mul3A_472 : i32 to index
      %get3A_474 = tpu.vector_load %arg6[%get3A_473] {strides = array<i32>} : memref<16384xf32, #tpu.memory_space<vmem>>, vector<16xf32>,
      %get3A_475 = vector.shape_cast %get3A_474 : vector<16xf32> to vector<16xf32>
      %gt3A_476 = arith.cmpf ogt, %get3A_475, %scan3A_438 : vector<16xf32>
      %select_n3A_477 = arith.select %gt3A_476, %get3A_475, %scan3A_438 : vector<16xi1>, vector<16xf32>
      %add3A_478 = arith.constant 0 : i32
      %add3A_479 = arith.addi %add3A_470, %add3A_478 : i32
      %broadcast_in_dim3A_480 = vector.broadcast %add3A_479 : i32 to vector<16xi32>
      %select_n3A_481 = arith.select %gt3A_476, %broadcast_in_dim3A_480, %scan3A_442 : vector<16xi1>, vector<16xi32>
      %add3A_482 = arith.constant 768 : i32
      %add3A_483 = arith.addi %scan3A_435, %add3A_482 : i32
      %mul3A_484 = arith.constant 16 : i32
      %mul3A_485 = arith.muli %add3A_483, %mul3A_484 : i32
      %get3A_486 = arith.index_cast %mul3A_485 : i32 to index
      %get3A_487 = tpu.vector_load %arg6[%get3A_486] {strides = array<i32>} : memref<16384xf32, #tpu.memory_space<vmem>>, vector<16xf32>,
      %get3A_488 = vector.shape_cast %get3A_487 : vector<16xf32> to vector<16xf32>
      %gt3A_489 = arith.cmpf ogt, %get3A_488, %scan3A_439 : vector<16xf32>
      %select_n3A_490 = arith.select %gt3A_489, %get3A_488, %scan3A_439 : vector<16xi1>, vector<16xf32>
      %add3A_491 = arith.constant 0 : i32
      %add3A_492 = arith.addi %add3A_483, %add3A_491 : i32
      %broadcast_in_dim3A_493 = vector.broadcast %add3A_492 : i32 to vector<16xi32>
      %select_n3A_494 = arith.select %gt3A_489, %broadcast_in_dim3A_493, %scan3A_443 : vector<16xi1>, vector<16xi32>
      %scan3A_495 = arith.constant 1 : i32
      %scan3A_496 = arith.addi %scan3A_435, %scan3A_495 : i32
      %add3A_497 = arith.constant 0 : i32
      %add3A_498 = arith.addi %scan3A_496, %add3A_497 : i32
      %mul3A_499 = arith.constant 16 : i32
      %mul3A_500 = arith.muli %add3A_498, %mul3A_499 : i32
      %get3A_501 = arith.index_cast %mul3A_500 : i32 to index
      %get3A_502 = tpu.vector_load %arg6[%get3A_501] {strides = array<i32>} : memref<16384xf32, #tpu.memory_space<vmem>>, vector<16xf32>,
      %get3A_503 = vector.shape_cast %get3A_502 : vector<16xf32> to vector<16xf32>
      %gt3A_504 = arith.cmpf ogt, %get3A_503, %select_n3A_451 : vector<16xf32>
      %select_n3A_505 = arith.select %gt3A_504, %get3A_503, %select_n3A_451 : vector<16xi1>, vector<16xf32>
      %add3A_506 = arith.constant 0 : i32
      %add3A_507 = arith.addi %add3A_498, %add3A_506 : i32
      %broadcast_in_dim3A_508 = vector.broadcast %add3A_507 : i32 to vector<16xi32>
      %select_n3A_509 = arith.select %gt3A_504, %broadcast_in_dim3A_508, %select_n3A_455 : vector<16xi1>, vector<16xi32>
      %add3A_510 = arith.constant 256 : i32
      %add3A_511 = arith.addi %scan3A_496, %add3A_510 : i32
      %mul3A_512 = arith.constant 16 : i32
      %mul3A_513 = arith.muli %add3A_511, %mul3A_512 : i32
      %get3A_514 = arith.index_cast %mul3A_513 : i32 to index
      %get3A_515 = tpu.vector_load %arg6[%get3A_514] {strides = array<i32>} : memref<16384xf32, #tpu.memory_space<vmem>>, vector<16xf32>,
      %get3A_516 = vector.shape_cast %get3A_515 : vector<16xf32> to vector<16xf32>
      %gt3A_517 = arith.cmpf ogt, %get3A_516, %select_n3A_464 : vector<16xf32>
      %select_n3A_518 = arith.select %gt3A_517, %get3A_516, %select_n3A_464 : vector<16xi1>, vector<16xf32>
      %add3A_519 = arith.constant 0 : i32
      %add3A_520 = arith.addi %add3A_511, %add3A_519 : i32
      %broadcast_in_dim3A_521 = vector.broadcast %add3A_520 : i32 to vector<16xi32>
      %select_n3A_522 = arith.select %gt3A_517, %broadcast_in_dim3A_521, %select_n3A_468 : vector<16xi1>, vector<16xi32>
      %add3A_523 = arith.constant 512 : i32
      %add3A_524 = arith.addi %scan3A_496, %add3A_523 : i32
      %mul3A_525 = arith.constant 16 : i32
      %mul3A_526 = arith.muli %add3A_524, %mul3A_525 : i32
      %get3A_527 = arith.index_cast %mul3A_526 : i32 to index
      %get3A_528 = tpu.vector_load %arg6[%get3A_527] {strides = array<i32>} : memref<16384xf32, #tpu.memory_space<vmem>>, vector<16xf32>,
      %get3A_529 = vector.shape_cast %get3A_528 : vector<16xf32> to vector<16xf32>
      %gt3A_530 = arith.cmpf ogt, %get3A_529, %select_n3A_477 : vector<16xf32>
      %select_n3A_531 = arith.select %gt3A_530, %get3A_529, %select_n3A_477 : vector<16xi1>, vector<16xf32>
      %add3A_532 = arith.constant 0 : i32
      %add3A_533 = arith.addi %add3A_524, %add3A_532 : i32
      %broadcast_in_dim3A_534 = vector.broadcast %add3A_533 : i32 to vector<16xi32>
      %select_n3A_535 = arith.select %gt3A_530, %broadcast_in_dim3A_534, %select_n3A_481 : vector<16xi1>, vector<16xi32>
      %add3A_536 = arith.constant 768 : i32
      %add3A_537 = arith.addi %scan3A_496, %add3A_536 : i32
      %mul3A_538 = arith.constant 16 : i32
      %mul3A_539 = arith.muli %add3A_537, %mul3A_538 : i32
      %get3A_540 = arith.index_cast %mul3A_539 : i32 to index
      %get3A_541 = tpu.vector_load %arg6[%get3A_540] {strides = array<i32>} : memref<16384xf32, #tpu.memory_space<vmem>>, vector<16xf32>,
      %get3A_542 = vector.shape_cast %get3A_541 : vector<16xf32> to vector<16xf32>
      %gt3A_543 = arith.cmpf ogt, %get3A_542, %select_n3A_490 : vector<16xf32>
      %select_n3A_544 = arith.select %gt3A_543, %get3A_542, %select_n3A_490 : vector<16xi1>, vector<16xf32>
      %add3A_545 = arith.constant 0 : i32
      %add3A_546 = arith.addi %add3A_537, %add3A_545 : i32
      %broadcast_in_dim3A_547 = vector.broadcast %add3A_546 : i32 to vector<16xi32>
      %select_n3A_548 = arith.select %gt3A_543, %broadcast_in_dim3A_547, %select_n3A_494 : vector<16xi1>, vector<16xi32>
      %scan3A_549 = arith.constant 2 : i32
      %scan3A_550 = arith.addi %scan3A_435, %scan3A_549 : i32
      %add3A_551 = arith.constant 0 : i32
      %add3A_552 = arith.addi %scan3A_550, %add3A_551 : i32
      %mul3A_553 = arith.constant 16 : i32
      %mul3A_554 = arith.muli %add3A_552, %mul3A_553 : i32
      %get3A_555 = arith.index_cast %mul3A_554 : i32 to index
      %get3A_556 = tpu.vector_load %arg6[%get3A_555] {strides = array<i32>} : memref<16384xf32, #tpu.memory_space<vmem>>, vector<16xf32>,
      %get3A_557 = vector.shape_cast %get3A_556 : vector<16xf32> to vector<16xf32>
      %gt3A_558 = arith.cmpf ogt, %get3A_557, %select_n3A_505 : vector<16xf32>
      %select_n3A_559 = arith.select %gt3A_558, %get3A_557, %select_n3A_505 : vector<16xi1>, vector<16xf32>
      %add3A_560 = arith.constant 0 : i32
      %add3A_561 = arith.addi %add3A_552, %add3A_560 : i32
      %broadcast_in_dim3A_562 = vector.broadcast %add3A_561 : i32 to vector<16xi32>
      %select_n3A_563 = arith.select %gt3A_558, %broadcast_in_dim3A_562, %select_n3A_509 : vector<16xi1>, vector<16xi32>
      %add3A_564 = arith.constant 256 : i32
      %add3A_565 = arith.addi %scan3A_550, %add3A_564 : i32
      %mul3A_566 = arith.constant 16 : i32
      %mul3A_567 = arith.muli %add3A_565, %mul3A_566 : i32
      %get3A_568 = arith.index_cast %mul3A_567 : i32 to index
      %get3A_569 = tpu.vector_load %arg6[%get3A_568] {strides = array<i32>} : memref<16384xf32, #tpu.memory_space<vmem>>, vector<16xf32>,
      %get3A_570 = vector.shape_cast %get3A_569 : vector<16xf32> to vector<16xf32>
      %gt3A_571 = arith.cmpf ogt, %get3A_570, %select_n3A_518 : vector<16xf32>
      %select_n3A_572 = arith.select %gt3A_571, %get3A_570, %select_n3A_518 : vector<16xi1>, vector<16xf32>
      %add3A_573 = arith.constant 0 : i32
      %add3A_574 = arith.addi %add3A_565, %add3A_573 : i32
      %broadcast_in_dim3A_575 = vector.broadcast %add3A_574 : i32 to vector<16xi32>
      %select_n3A_576 = arith.select %gt3A_571, %broadcast_in_dim3A_575, %select_n3A_522 : vector<16xi1>, vector<16xi32>
      %add3A_577 = arith.constant 512 : i32
      %add3A_578 = arith.addi %scan3A_550, %add3A_577 : i32
      %mul3A_579 = arith.constant 16 : i32
      %mul3A_580 = arith.muli %add3A_578, %mul3A_579 : i32
      %get3A_581 = arith.index_cast %mul3A_580 : i32 to index
      %get3A_582 = tpu.vector_load %arg6[%get3A_581] {strides = array<i32>} : memref<16384xf32, #tpu.memory_space<vmem>>, vector<16xf32>,
      %get3A_583 = vector.shape_cast %get3A_582 : vector<16xf32> to vector<16xf32>
      %gt3A_584 = arith.cmpf ogt, %get3A_583, %select_n3A_531 : vector<16xf32>
      %select_n3A_585 = arith.select %gt3A_584, %get3A_583, %select_n3A_531 : vector<16xi1>, vector<16xf32>
      %add3A_586 = arith.constant 0 : i32
      %add3A_587 = arith.addi %add3A_578, %add3A_586 : i32
      %broadcast_in_dim3A_588 = vector.broadcast %add3A_587 : i32 to vector<16xi32>
      %select_n3A_589 = arith.select %gt3A_584, %broadcast_in_dim3A_588, %select_n3A_535 : vector<16xi1>, vector<16xi32>
      %add3A_590 = arith.constant 768 : i32
      %add3A_591 = arith.addi %scan3A_550, %add3A_590 : i32
      %mul3A_592 = arith.constant 16 : i32
      %mul3A_593 = arith.muli %add3A_591, %mul3A_592 : i32
      %get3A_594 = arith.index_cast %mul3A_593 : i32 to index
      %get3A_595 = tpu.vector_load %arg6[%get3A_594] {strides = array<i32>} : memref<16384xf32, #tpu.memory_space<vmem>>, vector<16xf32>,
      %get3A_596 = vector.shape_cast %get3A_595 : vector<16xf32> to vector<16xf32>
      %gt3A_597 = arith.cmpf ogt, %get3A_596, %select_n3A_544 : vector<16xf32>
      %select_n3A_598 = arith.select %gt3A_597, %get3A_596, %select_n3A_544 : vector<16xi1>, vector<16xf32>
      %add3A_599 = arith.constant 0 : i32
      %add3A_600 = arith.addi %add3A_591, %add3A_599 : i32
      %broadcast_in_dim3A_601 = vector.broadcast %add3A_600 : i32 to vector<16xi32>
      %select_n3A_602 = arith.select %gt3A_597, %broadcast_in_dim3A_601, %select_n3A_548 : vector<16xi1>, vector<16xi32>
      %scan3A_603 = arith.constant 3 : i32
      %scan3A_604 = arith.addi %scan3A_435, %scan3A_603 : i32
      %add3A_605 = arith.constant 0 : i32
      %add3A_606 = arith.addi %scan3A_604, %add3A_605 : i32
      %mul3A_607 = arith.constant 16 : i32
      %mul3A_608 = arith.muli %add3A_606, %mul3A_607 : i32
      %get3A_609 = arith.index_cast %mul3A_608 : i32 to index
      %get3A_610 = tpu.vector_load %arg6[%get3A_609] {strides = array<i32>} : memref<16384xf32, #tpu.memory_space<vmem>>, vector<16xf32>,
      %get3A_611 = vector.shape_cast %get3A_610 : vector<16xf32> to vector<16xf32>
      %gt3A_612 = arith.cmpf ogt, %get3A_611, %select_n3A_559 : vector<16xf32>
      %select_n3A_613 = arith.select %gt3A_612, %get3A_611, %select_n3A_559 : vector<16xi1>, vector<16xf32>
      %add3A_614 = arith.constant 0 : i32
      %add3A_615 = arith.addi %add3A_606, %add3A_614 : i32
      %broadcast_in_dim3A_616 = vector.broadcast %add3A_615 : i32 to vector<16xi32>
      %select_n3A_617 = arith.select %gt3A_612, %broadcast_in_dim3A_616, %select_n3A_563 : vector<16xi1>, vector<16xi32>
      %add3A_618 = arith.constant 256 : i32
      %add3A_619 = arith.addi %scan3A_604, %add3A_618 : i32
      %mul3A_620 = arith.constant 16 : i32
      %mul3A_621 = arith.muli %add3A_619, %mul3A_620 : i32
      %get3A_622 = arith.index_cast %mul3A_621 : i32 to index
      %get3A_623 = tpu.vector_load %arg6[%get3A_622] {strides = array<i32>} : memref<16384xf32, #tpu.memory_space<vmem>>, vector<16xf32>,
      %get3A_624 = vector.shape_cast %get3A_623 : vector<16xf32> to vector<16xf32>
      %gt3A_625 = arith.cmpf ogt, %get3A_624, %select_n3A_572 : vector<16xf32>
      %select_n3A_626 = arith.select %gt3A_625, %get3A_624, %select_n3A_572 : vector<16xi1>, vector<16xf32>
      %add3A_627 = arith.constant 0 : i32
      %add3A_628 = arith.addi %add3A_619, %add3A_627 : i32
      %broadcast_in_dim3A_629 = vector.broadcast %add3A_628 : i32 to vector<16xi32>
      %select_n3A_630 = arith.select %gt3A_625, %broadcast_in_dim3A_629, %select_n3A_576 : vector<16xi1>, vector<16xi32>
      %add3A_631 = arith.constant 512 : i32
      %add3A_632 = arith.addi %scan3A_604, %add3A_631 : i32
      %mul3A_633 = arith.constant 16 : i32
      %mul3A_634 = arith.muli %add3A_632, %mul3A_633 : i32
      %get3A_635 = arith.index_cast %mul3A_634 : i32 to index
      %get3A_636 = tpu.vector_load %arg6[%get3A_635] {strides = array<i32>} : memref<16384xf32, #tpu.memory_space<vmem>>, vector<16xf32>,
      %get3A_637 = vector.shape_cast %get3A_636 : vector<16xf32> to vector<16xf32>
      %gt3A_638 = arith.cmpf ogt, %get3A_637, %select_n3A_585 : vector<16xf32>
      %select_n3A_639 = arith.select %gt3A_638, %get3A_637, %select_n3A_585 : vector<16xi1>, vector<16xf32>
      %add3A_640 = arith.constant 0 : i32
      %add3A_641 = arith.addi %add3A_632, %add3A_640 : i32
      %broadcast_in_dim3A_642 = vector.broadcast %add3A_641 : i32 to vector<16xi32>
      %select_n3A_643 = arith.select %gt3A_638, %broadcast_in_dim3A_642, %select_n3A_589 : vector<16xi1>, vector<16xi32>
      %add3A_644 = arith.constant 768 : i32
      %add3A_645 = arith.addi %scan3A_604, %add3A_644 : i32
      %mul3A_646 = arith.constant 16 : i32
      %mul3A_647 = arith.muli %add3A_645, %mul3A_646 : i32
      %get3A_648 = arith.index_cast %mul3A_647 : i32 to index
      %get3A_649 = tpu.vector_load %arg6[%get3A_648] {strides = array<i32>} : memref<16384xf32, #tpu.memory_space<vmem>>, vector<16xf32>,
      %get3A_650 = vector.shape_cast %get3A_649 : vector<16xf32> to vector<16xf32>
      %gt3A_651 = arith.cmpf ogt, %get3A_650, %select_n3A_598 : vector<16xf32>
      %select_n3A_652 = arith.select %gt3A_651, %get3A_650, %select_n3A_598 : vector<16xi1>, vector<16xf32>
      %add3A_653 = arith.constant 0 : i32
      %add3A_654 = arith.addi %add3A_645, %add3A_653 : i32
      %broadcast_in_dim3A_655 = vector.broadcast %add3A_654 : i32 to vector<16xi32>
      %select_n3A_656 = arith.select %gt3A_651, %broadcast_in_dim3A_655, %select_n3A_602 : vector<16xi1>, vector<16xi32>
      scf.yield %select_n3A_613, %select_n3A_626, %select_n3A_639, %select_n3A_652, %select_n3A_617, %select_n3A_630, %select_n3A_643, %select_n3A_656 : vector<16xf32>, vector<16xf32>, vector<16xf32>, vector<16xf32>, vector<16xi32>, vector<16xi32>, vector<16xi32>, vector<16xi32>
    }
    %scan3A_253 = arith.constant 256 : i32
    %gt3A_254 = arith.cmpf ogt, %scan3A_252#1, %scan3A_252#0 : vector<16xf32>
    %select_n3A_255 = arith.select %gt3A_254, %scan3A_252#1, %scan3A_252#0 : vector<16xi1>, vector<16xf32>
    %select_n3A_256 = arith.select %gt3A_254, %scan3A_252#5, %scan3A_252#4 : vector<16xi1>, vector<16xi32>
    %gt3A_257 = arith.cmpf ogt, %scan3A_252#2, %select_n3A_255 : vector<16xf32>
    %select_n3A_258 = arith.select %gt3A_257, %scan3A_252#2, %select_n3A_255 : vector<16xi1>, vector<16xf32>
    %select_n3A_259 = arith.select %gt3A_257, %scan3A_252#6, %select_n3A_256 : vector<16xi1>, vector<16xi32>
    %gt3A_260 = arith.cmpf ogt, %scan3A_252#3, %select_n3A_258 : vector<16xf32>
    %select_n3A_261 = arith.select %gt3A_260, %scan3A_252#3, %select_n3A_258 : vector<16xi1>, vector<16xf32>
    %select_n3A_262 = arith.select %gt3A_260, %scan3A_252#7, %select_n3A_259 : vector<16xi1>, vector<16xi32>
    %dma_wait3A_263 = arith.constant 16384 : i32
    %dma_wait3A_264 = tpu.memref_slice %arg2[%add3A_61, %dma_wait3A_263] : memref<128x32768xf32, #tpu.memory_space<hbm>> -> memref<1x16384xf32, #tpu.memory_space<hbm>>
    %dma_wait3A_265 = tpu.memref_squeeze %dma_wait3A_264 : memref<1x16384xf32, #tpu.memory_space<hbm>> -> memref<16384xf32, #tpu.memory_space<hbm>>
    %dma_wait3A_266 = arith.constant 16384 : i32
    %dma_wait3A_267 = tpu.memref_slice %arg2[%add3A_61, %dma_wait3A_266] : memref<128x32768xf32, #tpu.memory_space<hbm>> -> memref<1x16384xf32, #tpu.memory_space<hbm>>
    %dma_wait3A_268 = tpu.memref_squeeze %dma_wait3A_267 : memref<1x16384xf32, #tpu.memory_space<hbm>> -> memref<16384xf32, #tpu.memory_space<hbm>>
    tpu.wait_dma2 semaphore(%arg11 : memref<!tpu.dma_semaphore, #tpu.memory_space<semaphore_mem>>) src(%dma_wait3A_268 : memref<16384xf32, #tpu.memory_space<hbm>>) dst(%arg4 : memref<16384xf32, #tpu.memory_space<vmem>>)
    %broadcast_in_dim3A_269 = arith.constant 0xFF800000 : f32
    %broadcast_in_dim3A_270 = vector.broadcast %broadcast_in_dim3A_269 : f32 to vector<16xf32>
    %broadcast_in_dim3A_271 = arith.constant 0xFF800000 : f32
    %broadcast_in_dim3A_272 = vector.broadcast %broadcast_in_dim3A_271 : f32 to vector<16xf32>
    %broadcast_in_dim3A_273 = arith.constant 0xFF800000 : f32
    %broadcast_in_dim3A_274 = vector.broadcast %broadcast_in_dim3A_273 : f32 to vector<16xf32>
    %broadcast_in_dim3A_275 = arith.constant 0xFF800000 : f32
    %broadcast_in_dim3A_276 = vector.broadcast %broadcast_in_dim3A_275 : f32 to vector<16xf32>
    %broadcast_in_dim3A_277 = arith.constant 0 : i32
    %broadcast_in_dim3A_278 = vector.broadcast %broadcast_in_dim3A_277 : i32 to vector<16xi32>
    %broadcast_in_dim3A_279 = arith.constant 0 : i32
    %broadcast_in_dim3A_280 = vector.broadcast %broadcast_in_dim3A_279 : i32 to vector<16xi32>
    %broadcast_in_dim3A_281 = arith.constant 0 : i32
    %broadcast_in_dim3A_282 = vector.broadcast %broadcast_in_dim3A_281 : i32 to vector<16xi32>
    %broadcast_in_dim3A_283 = arith.constant 0 : i32
    %broadcast_in_dim3A_284 = vector.broadcast %broadcast_in_dim3A_283 : i32 to vector<16xi32>
    %scan3A_285 = arith.constant 0 : i32
    %scan3A_286 = arith.constant 256 : i32
    %scan3A_287 = arith.addi %scan3A_285, %scan3A_286 : i32
    %scan3A_288 = arith.constant 4 : i32
    %scan3A_289:8 = scf.for %scan3A_435 = %scan3A_285 to %scan3A_287 step %scan3A_288 iter_args(%scan3A_436 = %broadcast_in_dim3A_270, %scan3A_437 = %broadcast_in_dim3A_272, %scan3A_438 = %broadcast_in_dim3A_274, %scan3A_439 = %broadcast_in_dim3A_276, %scan3A_440 = %broadcast_in_dim3A_278, %scan3A_441 = %broadcast_in_dim3A_280, %scan3A_442 = %broadcast_in_dim3A_282, %scan3A_443 = %broadcast_in_dim3A_284) -> (vector<16xf32>, vector<16xf32>, vector<16xf32>, vector<16xf32>, vector<16xi32>, vector<16xi32>, vector<16xi32>, vector<16xi32>)  : i32 {
      %add3A_444 = arith.constant 0 : i32
      %add3A_445 = arith.addi %scan3A_435, %add3A_444 : i32
      %mul3A_446 = arith.constant 16 : i32
      %mul3A_447 = arith.muli %add3A_445, %mul3A_446 : i32
      %get3A = arith.index_cast %mul3A_447 : i32 to index
      %get3A_448 = tpu.vector_load %arg4[%get3A] {strides = array<i32>} : memref<16384xf32, #tpu.memory_space<vmem>>, vector<16xf32>,
      %get3A_449 = vector.shape_cast %get3A_448 : vector<16xf32> to vector<16xf32>
      %gt3A_450 = arith.cmpf ogt, %get3A_449, %scan3A_436 : vector<16xf32>
      %select_n3A_451 = arith.select %gt3A_450, %get3A_449, %scan3A_436 : vector<16xi1>, vector<16xf32>
      %add3A_452 = arith.constant 1024 : i32
      %add3A_453 = arith.addi %add3A_445, %add3A_452 : i32
      %broadcast_in_dim3A_454 = vector.broadcast %add3A_453 : i32 to vector<16xi32>
      %select_n3A_455 = arith.select %gt3A_450, %broadcast_in_dim3A_454, %scan3A_440 : vector<16xi1>, vector<16xi32>
      %add3A_456 = arith.constant 256 : i32
      %add3A_457 = arith.addi %scan3A_435, %add3A_456 : i32
      %mul3A_458 = arith.constant 16 : i32
      %mul3A_459 = arith.muli %add3A_457, %mul3A_458 : i32
      %get3A_460 = arith.index_cast %mul3A_459 : i32 to index
      %get3A_461 = tpu.vector_load %arg4[%get3A_460] {strides = array<i32>} : memref<16384xf32, #tpu.memory_space<vmem>>, vector<16xf32>,
      %get3A_462 = vector.shape_cast %get3A_461 : vector<16xf32> to vector<16xf32>
      %gt3A_463 = arith.cmpf ogt, %get3A_462, %scan3A_437 : vector<16xf32>
      %select_n3A_464 = arith.select %gt3A_463, %get3A_462, %scan3A_437 : vector<16xi1>, vector<16xf32>
      %add3A_465 = arith.constant 1024 : i32
      %add3A_466 = arith.addi %add3A_457, %add3A_465 : i32
      %broadcast_in_dim3A_467 = vector.broadcast %add3A_466 : i32 to vector<16xi32>
      %select_n3A_468 = arith.select %gt3A_463, %broadcast_in_dim3A_467, %scan3A_441 : vector<16xi1>, vector<16xi32>
      %add3A_469 = arith.constant 512 : i32
      %add3A_470 = arith.addi %scan3A_435, %add3A_469 : i32
      %mul3A_471 = arith.constant 16 : i32
      %mul3A_472 = arith.muli %add3A_470, %mul3A_471 : i32
      %get3A_473 = arith.index_cast %mul3A_472 : i32 to index
      %get3A_474 = tpu.vector_load %arg4[%get3A_473] {strides = array<i32>} : memref<16384xf32, #tpu.memory_space<vmem>>, vector<16xf32>,
      %get3A_475 = vector.shape_cast %get3A_474 : vector<16xf32> to vector<16xf32>
      %gt3A_476 = arith.cmpf ogt, %get3A_475, %scan3A_438 : vector<16xf32>
      %select_n3A_477 = arith.select %gt3A_476, %get3A_475, %scan3A_438 : vector<16xi1>, vector<16xf32>
      %add3A_478 = arith.constant 1024 : i32
      %add3A_479 = arith.addi %add3A_470, %add3A_478 : i32
      %broadcast_in_dim3A_480 = vector.broadcast %add3A_479 : i32 to vector<16xi32>
      %select_n3A_481 = arith.select %gt3A_476, %broadcast_in_dim3A_480, %scan3A_442 : vector<16xi1>, vector<16xi32>
      %add3A_482 = arith.constant 768 : i32
      %add3A_483 = arith.addi %scan3A_435, %add3A_482 : i32
      %mul3A_484 = arith.constant 16 : i32
      %mul3A_485 = arith.muli %add3A_483, %mul3A_484 : i32
      %get3A_486 = arith.index_cast %mul3A_485 : i32 to index
      %get3A_487 = tpu.vector_load %arg4[%get3A_486] {strides = array<i32>} : memref<16384xf32, #tpu.memory_space<vmem>>, vector<16xf32>,
      %get3A_488 = vector.shape_cast %get3A_487 : vector<16xf32> to vector<16xf32>
      %gt3A_489 = arith.cmpf ogt, %get3A_488, %scan3A_439 : vector<16xf32>
      %select_n3A_490 = arith.select %gt3A_489, %get3A_488, %scan3A_439 : vector<16xi1>, vector<16xf32>
      %add3A_491 = arith.constant 1024 : i32
      %add3A_492 = arith.addi %add3A_483, %add3A_491 : i32
      %broadcast_in_dim3A_493 = vector.broadcast %add3A_492 : i32 to vector<16xi32>
      %select_n3A_494 = arith.select %gt3A_489, %broadcast_in_dim3A_493, %scan3A_443 : vector<16xi1>, vector<16xi32>
      %scan3A_495 = arith.constant 1 : i32
      %scan3A_496 = arith.addi %scan3A_435, %scan3A_495 : i32
      %add3A_497 = arith.constant 0 : i32
      %add3A_498 = arith.addi %scan3A_496, %add3A_497 : i32
      %mul3A_499 = arith.constant 16 : i32
      %mul3A_500 = arith.muli %add3A_498, %mul3A_499 : i32
      %get3A_501 = arith.index_cast %mul3A_500 : i32 to index
      %get3A_502 = tpu.vector_load %arg4[%get3A_501] {strides = array<i32>} : memref<16384xf32, #tpu.memory_space<vmem>>, vector<16xf32>,
      %get3A_503 = vector.shape_cast %get3A_502 : vector<16xf32> to vector<16xf32>
      %gt3A_504 = arith.cmpf ogt, %get3A_503, %select_n3A_451 : vector<16xf32>
      %select_n3A_505 = arith.select %gt3A_504, %get3A_503, %select_n3A_451 : vector<16xi1>, vector<16xf32>
      %add3A_506 = arith.constant 1024 : i32
      %add3A_507 = arith.addi %add3A_498, %add3A_506 : i32
      %broadcast_in_dim3A_508 = vector.broadcast %add3A_507 : i32 to vector<16xi32>
      %select_n3A_509 = arith.select %gt3A_504, %broadcast_in_dim3A_508, %select_n3A_455 : vector<16xi1>, vector<16xi32>
      %add3A_510 = arith.constant 256 : i32
      %add3A_511 = arith.addi %scan3A_496, %add3A_510 : i32
      %mul3A_512 = arith.constant 16 : i32
      %mul3A_513 = arith.muli %add3A_511, %mul3A_512 : i32
      %get3A_514 = arith.index_cast %mul3A_513 : i32 to index
      %get3A_515 = tpu.vector_load %arg4[%get3A_514] {strides = array<i32>} : memref<16384xf32, #tpu.memory_space<vmem>>, vector<16xf32>,
      %get3A_516 = vector.shape_cast %get3A_515 : vector<16xf32> to vector<16xf32>
      %gt3A_517 = arith.cmpf ogt, %get3A_516, %select_n3A_464 : vector<16xf32>
      %select_n3A_518 = arith.select %gt3A_517, %get3A_516, %select_n3A_464 : vector<16xi1>, vector<16xf32>
      %add3A_519 = arith.constant 1024 : i32
      %add3A_520 = arith.addi %add3A_511, %add3A_519 : i32
      %broadcast_in_dim3A_521 = vector.broadcast %add3A_520 : i32 to vector<16xi32>
      %select_n3A_522 = arith.select %gt3A_517, %broadcast_in_dim3A_521, %select_n3A_468 : vector<16xi1>, vector<16xi32>
      %add3A_523 = arith.constant 512 : i32
      %add3A_524 = arith.addi %scan3A_496, %add3A_523 : i32
      %mul3A_525 = arith.constant 16 : i32
      %mul3A_526 = arith.muli %add3A_524, %mul3A_525 : i32
      %get3A_527 = arith.index_cast %mul3A_526 : i32 to index
      %get3A_528 = tpu.vector_load %arg4[%get3A_527] {strides = array<i32>} : memref<16384xf32, #tpu.memory_space<vmem>>, vector<16xf32>,
      %get3A_529 = vector.shape_cast %get3A_528 : vector<16xf32> to vector<16xf32>
      %gt3A_530 = arith.cmpf ogt, %get3A_529, %select_n3A_477 : vector<16xf32>
      %select_n3A_531 = arith.select %gt3A_530, %get3A_529, %select_n3A_477 : vector<16xi1>, vector<16xf32>
      %add3A_532 = arith.constant 1024 : i32
      %add3A_533 = arith.addi %add3A_524, %add3A_532 : i32
      %broadcast_in_dim3A_534 = vector.broadcast %add3A_533 : i32 to vector<16xi32>
      %select_n3A_535 = arith.select %gt3A_530, %broadcast_in_dim3A_534, %select_n3A_481 : vector<16xi1>, vector<16xi32>
      %add3A_536 = arith.constant 768 : i32
      %add3A_537 = arith.addi %scan3A_496, %add3A_536 : i32
      %mul3A_538 = arith.constant 16 : i32
      %mul3A_539 = arith.muli %add3A_537, %mul3A_538 : i32
      %get3A_540 = arith.index_cast %mul3A_539 : i32 to index
      %get3A_541 = tpu.vector_load %arg4[%get3A_540] {strides = array<i32>} : memref<16384xf32, #tpu.memory_space<vmem>>, vector<16xf32>,
      %get3A_542 = vector.shape_cast %get3A_541 : vector<16xf32> to vector<16xf32>
      %gt3A_543 = arith.cmpf ogt, %get3A_542, %select_n3A_490 : vector<16xf32>
      %select_n3A_544 = arith.select %gt3A_543, %get3A_542, %select_n3A_490 : vector<16xi1>, vector<16xf32>
      %add3A_545 = arith.constant 1024 : i32
      %add3A_546 = arith.addi %add3A_537, %add3A_545 : i32
      %broadcast_in_dim3A_547 = vector.broadcast %add3A_546 : i32 to vector<16xi32>
      %select_n3A_548 = arith.select %gt3A_543, %broadcast_in_dim3A_547, %select_n3A_494 : vector<16xi1>, vector<16xi32>
      %scan3A_549 = arith.constant 2 : i32
      %scan3A_550 = arith.addi %scan3A_435, %scan3A_549 : i32
      %add3A_551 = arith.constant 0 : i32
      %add3A_552 = arith.addi %scan3A_550, %add3A_551 : i32
      %mul3A_553 = arith.constant 16 : i32
      %mul3A_554 = arith.muli %add3A_552, %mul3A_553 : i32
      %get3A_555 = arith.index_cast %mul3A_554 : i32 to index
      %get3A_556 = tpu.vector_load %arg4[%get3A_555] {strides = array<i32>} : memref<16384xf32, #tpu.memory_space<vmem>>, vector<16xf32>,
      %get3A_557 = vector.shape_cast %get3A_556 : vector<16xf32> to vector<16xf32>
      %gt3A_558 = arith.cmpf ogt, %get3A_557, %select_n3A_505 : vector<16xf32>
      %select_n3A_559 = arith.select %gt3A_558, %get3A_557, %select_n3A_505 : vector<16xi1>, vector<16xf32>
      %add3A_560 = arith.constant 1024 : i32
      %add3A_561 = arith.addi %add3A_552, %add3A_560 : i32
      %broadcast_in_dim3A_562 = vector.broadcast %add3A_561 : i32 to vector<16xi32>
      %select_n3A_563 = arith.select %gt3A_558, %broadcast_in_dim3A_562, %select_n3A_509 : vector<16xi1>, vector<16xi32>
      %add3A_564 = arith.constant 256 : i32
      %add3A_565 = arith.addi %scan3A_550, %add3A_564 : i32
      %mul3A_566 = arith.constant 16 : i32
      %mul3A_567 = arith.muli %add3A_565, %mul3A_566 : i32
      %get3A_568 = arith.index_cast %mul3A_567 : i32 to index
      %get3A_569 = tpu.vector_load %arg4[%get3A_568] {strides = array<i32>} : memref<16384xf32, #tpu.memory_space<vmem>>, vector<16xf32>,
      %get3A_570 = vector.shape_cast %get3A_569 : vector<16xf32> to vector<16xf32>
      %gt3A_571 = arith.cmpf ogt, %get3A_570, %select_n3A_518 : vector<16xf32>
      %select_n3A_572 = arith.select %gt3A_571, %get3A_570, %select_n3A_518 : vector<16xi1>, vector<16xf32>
      %add3A_573 = arith.constant 1024 : i32
      %add3A_574 = arith.addi %add3A_565, %add3A_573 : i32
      %broadcast_in_dim3A_575 = vector.broadcast %add3A_574 : i32 to vector<16xi32>
      %select_n3A_576 = arith.select %gt3A_571, %broadcast_in_dim3A_575, %select_n3A_522 : vector<16xi1>, vector<16xi32>
      %add3A_577 = arith.constant 512 : i32
      %add3A_578 = arith.addi %scan3A_550, %add3A_577 : i32
      %mul3A_579 = arith.constant 16 : i32
      %mul3A_580 = arith.muli %add3A_578, %mul3A_579 : i32
      %get3A_581 = arith.index_cast %mul3A_580 : i32 to index
      %get3A_582 = tpu.vector_load %arg4[%get3A_581] {strides = array<i32>} : memref<16384xf32, #tpu.memory_space<vmem>>, vector<16xf32>,
      %get3A_583 = vector.shape_cast %get3A_582 : vector<16xf32> to vector<16xf32>
      %gt3A_584 = arith.cmpf ogt, %get3A_583, %select_n3A_531 : vector<16xf32>
      %select_n3A_585 = arith.select %gt3A_584, %get3A_583, %select_n3A_531 : vector<16xi1>, vector<16xf32>
      %add3A_586 = arith.constant 1024 : i32
      %add3A_587 = arith.addi %add3A_578, %add3A_586 : i32
      %broadcast_in_dim3A_588 = vector.broadcast %add3A_587 : i32 to vector<16xi32>
      %select_n3A_589 = arith.select %gt3A_584, %broadcast_in_dim3A_588, %select_n3A_535 : vector<16xi1>, vector<16xi32>
      %add3A_590 = arith.constant 768 : i32
      %add3A_591 = arith.addi %scan3A_550, %add3A_590 : i32
      %mul3A_592 = arith.constant 16 : i32
      %mul3A_593 = arith.muli %add3A_591, %mul3A_592 : i32
      %get3A_594 = arith.index_cast %mul3A_593 : i32 to index
      %get3A_595 = tpu.vector_load %arg4[%get3A_594] {strides = array<i32>} : memref<16384xf32, #tpu.memory_space<vmem>>, vector<16xf32>,
      %get3A_596 = vector.shape_cast %get3A_595 : vector<16xf32> to vector<16xf32>
      %gt3A_597 = arith.cmpf ogt, %get3A_596, %select_n3A_544 : vector<16xf32>
      %select_n3A_598 = arith.select %gt3A_597, %get3A_596, %select_n3A_544 : vector<16xi1>, vector<16xf32>
      %add3A_599 = arith.constant 1024 : i32
      %add3A_600 = arith.addi %add3A_591, %add3A_599 : i32
      %broadcast_in_dim3A_601 = vector.broadcast %add3A_600 : i32 to vector<16xi32>
      %select_n3A_602 = arith.select %gt3A_597, %broadcast_in_dim3A_601, %select_n3A_548 : vector<16xi1>, vector<16xi32>
      %scan3A_603 = arith.constant 3 : i32
      %scan3A_604 = arith.addi %scan3A_435, %scan3A_603 : i32
      %add3A_605 = arith.constant 0 : i32
      %add3A_606 = arith.addi %scan3A_604, %add3A_605 : i32
      %mul3A_607 = arith.constant 16 : i32
      %mul3A_608 = arith.muli %add3A_606, %mul3A_607 : i32
      %get3A_609 = arith.index_cast %mul3A_608 : i32 to index
      %get3A_610 = tpu.vector_load %arg4[%get3A_609] {strides = array<i32>} : memref<16384xf32, #tpu.memory_space<vmem>>, vector<16xf32>,
      %get3A_611 = vector.shape_cast %get3A_610 : vector<16xf32> to vector<16xf32>
      %gt3A_612 = arith.cmpf ogt, %get3A_611, %select_n3A_559 : vector<16xf32>
      %select_n3A_613 = arith.select %gt3A_612, %get3A_611, %select_n3A_559 : vector<16xi1>, vector<16xf32>
      %add3A_614 = arith.constant 1024 : i32
      %add3A_615 = arith.addi %add3A_606, %add3A_614 : i32
      %broadcast_in_dim3A_616 = vector.broadcast %add3A_615 : i32 to vector<16xi32>
      %select_n3A_617 = arith.select %gt3A_612, %broadcast_in_dim3A_616, %select_n3A_563 : vector<16xi1>, vector<16xi32>
      %add3A_618 = arith.constant 256 : i32
      %add3A_619 = arith.addi %scan3A_604, %add3A_618 : i32
      %mul3A_620 = arith.constant 16 : i32
      %mul3A_621 = arith.muli %add3A_619, %mul3A_620 : i32
      %get3A_622 = arith.index_cast %mul3A_621 : i32 to index
      %get3A_623 = tpu.vector_load %arg4[%get3A_622] {strides = array<i32>} : memref<16384xf32, #tpu.memory_space<vmem>>, vector<16xf32>,
      %get3A_624 = vector.shape_cast %get3A_623 : vector<16xf32> to vector<16xf32>
      %gt3A_625 = arith.cmpf ogt, %get3A_624, %select_n3A_572 : vector<16xf32>
      %select_n3A_626 = arith.select %gt3A_625, %get3A_624, %select_n3A_572 : vector<16xi1>, vector<16xf32>
      %add3A_627 = arith.constant 1024 : i32
      %add3A_628 = arith.addi %add3A_619, %add3A_627 : i32
      %broadcast_in_dim3A_629 = vector.broadcast %add3A_628 : i32 to vector<16xi32>
      %select_n3A_630 = arith.select %gt3A_625, %broadcast_in_dim3A_629, %select_n3A_576 : vector<16xi1>, vector<16xi32>
      %add3A_631 = arith.constant 512 : i32
      %add3A_632 = arith.addi %scan3A_604, %add3A_631 : i32
      %mul3A_633 = arith.constant 16 : i32
      %mul3A_634 = arith.muli %add3A_632, %mul3A_633 : i32
      %get3A_635 = arith.index_cast %mul3A_634 : i32 to index
      %get3A_636 = tpu.vector_load %arg4[%get3A_635] {strides = array<i32>} : memref<16384xf32, #tpu.memory_space<vmem>>, vector<16xf32>,
      %get3A_637 = vector.shape_cast %get3A_636 : vector<16xf32> to vector<16xf32>
      %gt3A_638 = arith.cmpf ogt, %get3A_637, %select_n3A_585 : vector<16xf32>
      %select_n3A_639 = arith.select %gt3A_638, %get3A_637, %select_n3A_585 : vector<16xi1>, vector<16xf32>
      %add3A_640 = arith.constant 1024 : i32
      %add3A_641 = arith.addi %add3A_632, %add3A_640 : i32
      %broadcast_in_dim3A_642 = vector.broadcast %add3A_641 : i32 to vector<16xi32>
      %select_n3A_643 = arith.select %gt3A_638, %broadcast_in_dim3A_642, %select_n3A_589 : vector<16xi1>, vector<16xi32>
      %add3A_644 = arith.constant 768 : i32
      %add3A_645 = arith.addi %scan3A_604, %add3A_644 : i32
      %mul3A_646 = arith.constant 16 : i32
      %mul3A_647 = arith.muli %add3A_645, %mul3A_646 : i32
      %get3A_648 = arith.index_cast %mul3A_647 : i32 to index
      %get3A_649 = tpu.vector_load %arg4[%get3A_648] {strides = array<i32>} : memref<16384xf32, #tpu.memory_space<vmem>>, vector<16xf32>,
      %get3A_650 = vector.shape_cast %get3A_649 : vector<16xf32> to vector<16xf32>
      %gt3A_651 = arith.cmpf ogt, %get3A_650, %select_n3A_598 : vector<16xf32>
      %select_n3A_652 = arith.select %gt3A_651, %get3A_650, %select_n3A_598 : vector<16xi1>, vector<16xf32>
      %add3A_653 = arith.constant 1024 : i32
      %add3A_654 = arith.addi %add3A_645, %add3A_653 : i32
      %broadcast_in_dim3A_655 = vector.broadcast %add3A_654 : i32 to vector<16xi32>
      %select_n3A_656 = arith.select %gt3A_651, %broadcast_in_dim3A_655, %select_n3A_602 : vector<16xi1>, vector<16xi32>
      scf.yield %select_n3A_613, %select_n3A_626, %select_n3A_639, %select_n3A_652, %select_n3A_617, %select_n3A_630, %select_n3A_643, %select_n3A_656 : vector<16xf32>, vector<16xf32>, vector<16xf32>, vector<16xf32>, vector<16xi32>, vector<16xi32>, vector<16xi32>, vector<16xi32>
    }
    %scan3A_290 = arith.constant 256 : i32
    %gt3A_291 = arith.cmpf ogt, %scan3A_289#0, %select_n3A_261 : vector<16xf32>
    %select_n3A_292 = arith.select %gt3A_291, %scan3A_289#0, %select_n3A_261 : vector<16xi1>, vector<16xf32>
    %select_n3A_293 = arith.select %gt3A_291, %scan3A_289#4, %select_n3A_262 : vector<16xi1>, vector<16xi32>
    %gt3A_294 = arith.cmpf ogt, %scan3A_289#1, %select_n3A_292 : vector<16xf32>
    %select_n3A_295 = arith.select %gt3A_294, %scan3A_289#1, %select_n3A_292 : vector<16xi1>, vector<16xf32>
    %select_n3A_296 = arith.select %gt3A_294, %scan3A_289#5, %select_n3A_293 : vector<16xi1>, vector<16xi32>
    %gt3A_297 = arith.cmpf ogt, %scan3A_289#2, %select_n3A_295 : vector<16xf32>
    %select_n3A_298 = arith.select %gt3A_297, %scan3A_289#2, %select_n3A_295 : vector<16xi1>, vector<16xf32>
    %select_n3A_299 = arith.select %gt3A_297, %scan3A_289#6, %select_n3A_296 : vector<16xi1>, vector<16xi32>
    %gt3A_300 = arith.cmpf ogt, %scan3A_289#3, %select_n3A_298 : vector<16xf32>
    %select_n3A_301 = arith.select %gt3A_300, %scan3A_289#3, %select_n3A_298 : vector<16xi1>, vector<16xf32>
    %select_n3A_302 = arith.select %gt3A_300, %scan3A_289#7, %select_n3A_299 : vector<16xi1>, vector<16xi32>
    %xor3A_303 = arith.constant 1 : i32
    %xor3A_304 = vector.broadcast %xor3A_303 : i32 to vector<16xi32>
    %xor3A_305 = arith.xori %iota3A, %xor3A_304 : vector<16xi32>
    %lt3A_306 = arith.constant 0 : i32
    %lt3A_307 = vector.broadcast %lt3A_306 : i32 to vector<16xi32>
    %lt3A_308 = arith.cmpi slt, %xor3A_305, %lt3A_307 : vector<16xi32>
    %add3A_309 = arith.constant 16 : i32
    %add3A_310 = vector.broadcast %add3A_309 : i32 to vector<16xi32>
    %add3A_311 = arith.addi %xor3A_305, %add3A_310 : vector<16xi32>
    %select_n3A_312 = arith.select %lt3A_308, %add3A_311, %xor3A_305 : vector<16xi1>, vector<16xi32>
    %broadcast_in_dim3A_313 = vector.shape_cast %select_n3A_312 : vector<16xi32> to vector<16x1xi32>
    %gather3A_314 = vector.shape_cast %broadcast_in_dim3A_313 : vector<16x1xi32> to vector<16xi32>
    %gather3A_315 = tpu.dynamic_gather %select_n3A_301[%gather3A_314] in [0] : vector<16xf32>, vector<16xi32> -> vector<16xf32>
    %max3A_316 = arith.maximumf %select_n3A_301, %gather3A_315 : vector<16xf32>
    %xor3A_317 = arith.constant 2 : i32
    %xor3A_318 = vector.broadcast %xor3A_317 : i32 to vector<16xi32>
    %xor3A_319 = arith.xori %iota3A, %xor3A_318 : vector<16xi32>
    %lt3A_320 = arith.constant 0 : i32
    %lt3A_321 = vector.broadcast %lt3A_320 : i32 to vector<16xi32>
    %lt3A_322 = arith.cmpi slt, %xor3A_319, %lt3A_321 : vector<16xi32>
    %add3A_323 = arith.constant 16 : i32
    %add3A_324 = vector.broadcast %add3A_323 : i32 to vector<16xi32>
    %add3A_325 = arith.addi %xor3A_319, %add3A_324 : vector<16xi32>
    %select_n3A_326 = arith.select %lt3A_322, %add3A_325, %xor3A_319 : vector<16xi1>, vector<16xi32>
    %broadcast_in_dim3A_327 = vector.shape_cast %select_n3A_326 : vector<16xi32> to vector<16x1xi32>
    %gather3A_328 = vector.shape_cast %broadcast_in_dim3A_327 : vector<16x1xi32> to vector<16xi32>
    %gather3A_329 = tpu.dynamic_gather %max3A_316[%gather3A_328] in [0] : vector<16xf32>, vector<16xi32> -> vector<16xf32>
    %max3A_330 = arith.maximumf %max3A_316, %gather3A_329 : vector<16xf32>
    %xor3A_331 = arith.constant 4 : i32
    %xor3A_332 = vector.broadcast %xor3A_331 : i32 to vector<16xi32>
    %xor3A_333 = arith.xori %iota3A, %xor3A_332 : vector<16xi32>
    %lt3A_334 = arith.constant 0 : i32
    %lt3A_335 = vector.broadcast %lt3A_334 : i32 to vector<16xi32>
    %lt3A_336 = arith.cmpi slt, %xor3A_333, %lt3A_335 : vector<16xi32>
    %add3A_337 = arith.constant 16 : i32
    %add3A_338 = vector.broadcast %add3A_337 : i32 to vector<16xi32>
    %add3A_339 = arith.addi %xor3A_333, %add3A_338 : vector<16xi32>
    %select_n3A_340 = arith.select %lt3A_336, %add3A_339, %xor3A_333 : vector<16xi1>, vector<16xi32>
    %broadcast_in_dim3A_341 = vector.shape_cast %select_n3A_340 : vector<16xi32> to vector<16x1xi32>
    %gather3A_342 = vector.shape_cast %broadcast_in_dim3A_341 : vector<16x1xi32> to vector<16xi32>
    %gather3A_343 = tpu.dynamic_gather %max3A_330[%gather3A_342] in [0] : vector<16xf32>, vector<16xi32> -> vector<16xf32>
    %max3A_344 = arith.maximumf %max3A_330, %gather3A_343 : vector<16xf32>
    %xor3A_345 = arith.constant 8 : i32
    %xor3A_346 = vector.broadcast %xor3A_345 : i32 to vector<16xi32>
    %xor3A_347 = arith.xori %iota3A, %xor3A_346 : vector<16xi32>
    %lt3A_348 = arith.constant 0 : i32
    %lt3A_349 = vector.broadcast %lt3A_348 : i32 to vector<16xi32>
    %lt3A_350 = arith.cmpi slt, %xor3A_347, %lt3A_349 : vector<16xi32>
    %add3A_351 = arith.constant 16 : i32
    %add3A_352 = vector.broadcast %add3A_351 : i32 to vector<16xi32>
    %add3A_353 = arith.addi %xor3A_347, %add3A_352 : vector<16xi32>
    %select_n3A_354 = arith.select %lt3A_350, %add3A_353, %xor3A_347 : vector<16xi1>, vector<16xi32>
    %broadcast_in_dim3A_355 = vector.shape_cast %select_n3A_354 : vector<16xi32> to vector<16x1xi32>
    %gather3A_356 = vector.shape_cast %broadcast_in_dim3A_355 : vector<16x1xi32> to vector<16xi32>
    %gather3A_357 = tpu.dynamic_gather %max3A_344[%gather3A_356] in [0] : vector<16xf32>, vector<16xi32> -> vector<16xf32>
    %max3A_358 = arith.maximumf %max3A_344, %gather3A_357 : vector<16xf32>
    %mul3A_359 = arith.constant 16 : i32
    %mul3A_360 = vector.broadcast %mul3A_359 : i32 to vector<16xi32>
    %mul3A_361 = arith.muli %select_n3A_302, %mul3A_360 : vector<16xi32>
    %add3A_362 = arith.addi %mul3A_361, %iota3A : vector<16xi32>
    %eq3A_363 = arith.cmpf oeq, %select_n3A_301, %max3A_358 : vector<16xf32>
    %broadcast_in_dim3A_364 = arith.constant 2147483647 : i32
    %broadcast_in_dim3A_365 = vector.broadcast %broadcast_in_dim3A_364 : i32 to vector<16xi32>
    %select_n3A_366 = arith.select %eq3A_363, %add3A_362, %broadcast_in_dim3A_365 : vector<16xi1>, vector<16xi32>
    %xor3A_367 = arith.constant 1 : i32
    %xor3A_368 = vector.broadcast %xor3A_367 : i32 to vector<16xi32>
    %xor3A_369 = arith.xori %iota3A, %xor3A_368 : vector<16xi32>
    %lt3A_370 = arith.constant 0 : i32
    %lt3A_371 = vector.broadcast %lt3A_370 : i32 to vector<16xi32>
    %lt3A_372 = arith.cmpi slt, %xor3A_369, %lt3A_371 : vector<16xi32>
    %add3A_373 = arith.constant 16 : i32
    %add3A_374 = vector.broadcast %add3A_373 : i32 to vector<16xi32>
    %add3A_375 = arith.addi %xor3A_369, %add3A_374 : vector<16xi32>
    %select_n3A_376 = arith.select %lt3A_372, %add3A_375, %xor3A_369 : vector<16xi1>, vector<16xi32>
    %broadcast_in_dim3A_377 = vector.shape_cast %select_n3A_376 : vector<16xi32> to vector<16x1xi32>
    %gather3A_378 = vector.shape_cast %broadcast_in_dim3A_377 : vector<16x1xi32> to vector<16xi32>
    %gather3A_379 = tpu.dynamic_gather %select_n3A_366[%gather3A_378] in [0] : vector<16xi32>, vector<16xi32> -> vector<16xi32>
    %min3A_380 = arith.minsi %select_n3A_366, %gather3A_379 : vector<16xi32>
    %xor3A_381 = arith.constant 2 : i32
    %xor3A_382 = vector.broadcast %xor3A_381 : i32 to vector<16xi32>
    %xor3A_383 = arith.xori %iota3A, %xor3A_382 : vector<16xi32>
    %lt3A_384 = arith.constant 0 : i32
    %lt3A_385 = vector.broadcast %lt3A_384 : i32 to vector<16xi32>
    %lt3A_386 = arith.cmpi slt, %xor3A_383, %lt3A_385 : vector<16xi32>
    %add3A_387 = arith.constant 16 : i32
    %add3A_388 = vector.broadcast %add3A_387 : i32 to vector<16xi32>
    %add3A_389 = arith.addi %xor3A_383, %add3A_388 : vector<16xi32>
    %select_n3A_390 = arith.select %lt3A_386, %add3A_389, %xor3A_383 : vector<16xi1>, vector<16xi32>
    %broadcast_in_dim3A_391 = vector.shape_cast %select_n3A_390 : vector<16xi32> to vector<16x1xi32>
    %gather3A_392 = vector.shape_cast %broadcast_in_dim3A_391 : vector<16x1xi32> to vector<16xi32>
    %gather3A_393 = tpu.dynamic_gather %min3A_380[%gather3A_392] in [0] : vector<16xi32>, vector<16xi32> -> vector<16xi32>
    %min3A_394 = arith.minsi %min3A_380, %gather3A_393 : vector<16xi32>
    %xor3A_395 = arith.constant 4 : i32
    %xor3A_396 = vector.broadcast %xor3A_395 : i32 to vector<16xi32>
    %xor3A_397 = arith.xori %iota3A, %xor3A_396 : vector<16xi32>
    %lt3A_398 = arith.constant 0 : i32
    %lt3A_399 = vector.broadcast %lt3A_398 : i32 to vector<16xi32>
    %lt3A_400 = arith.cmpi slt, %xor3A_397, %lt3A_399 : vector<16xi32>
    %add3A_401 = arith.constant 16 : i32
    %add3A_402 = vector.broadcast %add3A_401 : i32 to vector<16xi32>
    %add3A_403 = arith.addi %xor3A_397, %add3A_402 : vector<16xi32>
    %select_n3A_404 = arith.select %lt3A_400, %add3A_403, %xor3A_397 : vector<16xi1>, vector<16xi32>
    %broadcast_in_dim3A_405 = vector.shape_cast %select_n3A_404 : vector<16xi32> to vector<16x1xi32>
    %gather3A_406 = vector.shape_cast %broadcast_in_dim3A_405 : vector<16x1xi32> to vector<16xi32>
    %gather3A_407 = tpu.dynamic_gather %min3A_394[%gather3A_406] in [0] : vector<16xi32>, vector<16xi32> -> vector<16xi32>
    %min3A_408 = arith.minsi %min3A_394, %gather3A_407 : vector<16xi32>
    %xor3A_409 = arith.constant 8 : i32
    %xor3A_410 = vector.broadcast %xor3A_409 : i32 to vector<16xi32>
    %xor3A_411 = arith.xori %iota3A, %xor3A_410 : vector<16xi32>
    %lt3A_412 = arith.constant 0 : i32
    %lt3A_413 = vector.broadcast %lt3A_412 : i32 to vector<16xi32>
    %lt3A_414 = arith.cmpi slt, %xor3A_411, %lt3A_413 : vector<16xi32>
    %add3A_415 = arith.constant 16 : i32
    %add3A_416 = vector.broadcast %add3A_415 : i32 to vector<16xi32>
    %add3A_417 = arith.addi %xor3A_411, %add3A_416 : vector<16xi32>
    %select_n3A_418 = arith.select %lt3A_414, %add3A_417, %xor3A_411 : vector<16xi1>, vector<16xi32>
    %broadcast_in_dim3A_419 = vector.shape_cast %select_n3A_418 : vector<16xi32> to vector<16x1xi32>
    %gather3A_420 = vector.shape_cast %broadcast_in_dim3A_419 : vector<16x1xi32> to vector<16xi32>
    %gather3A_421 = tpu.dynamic_gather %min3A_408[%gather3A_420] in [0] : vector<16xi32>, vector<16xi32> -> vector<16xi32>
    %min3A_422 = arith.minsi %min3A_408, %gather3A_421 : vector<16xi32>
    %eq3A_423 = arith.constant 1 : i32
    %eq3A_424 = vector.broadcast %eq3A_423 : i32 to vector<16xi32>
    %eq3A_425 = arith.cmpi eq, %iota3A, %eq3A_424 : vector<16xi32>
    %select_n3A_426 = arith.select %eq3A_425, %min3A_422, %select_n3A_225 : vector<16xi1>, vector<16xi32>
    %swap3A = arith.constant 0 : index
    %swap3A_427 = tpu.vector_load %arg7[%swap3A] {strides = array<i32>} : memref<16xi32, #tpu.memory_space<vmem>>, vector<16xi32>,
    %swap3A_428 = vector.shape_cast %swap3A_427 : vector<16xi32> to vector<16xi32>
    %swap3A_429 = vector.shape_cast %select_n3A_426 : vector<16xi32> to vector<16xi32>
    tpu.vector_store %arg7[%swap3A], %swap3A_429 {strides = array<i32>} : memref<16xi32, #tpu.memory_space<vmem>>, vector<16xi32>,
    %mul3A_430 = arith.constant 16 : i32
    %mul3A_431 = arith.muli %arg1, %mul3A_430 : i32
    "tpu.region"() ({
      %run_scoped3A = tpu.sem_alloc : memref<!tpu.dma_semaphore, #tpu.memory_space<semaphore_mem>>
      %dma_start3A_435 = tpu.memref_slice %arg10[%mul3A_431] : memref<256xi32, #tpu.memory_space<vmem_shared>> -> memref<16xi32, #tpu.memory_space<vmem_shared>>
      %dma_start3A_436 = tpu.memref_slice %arg10[%mul3A_431] : memref<256xi32, #tpu.memory_space<vmem_shared>> -> memref<16xi32, #tpu.memory_space<vmem_shared>>
      tpu.enqueue_dma source(%arg7 : memref<16xi32, #tpu.memory_space<vmem>>) target(%dma_start3A_436 : memref<16xi32, #tpu.memory_space<vmem_shared>>) target_semaphore(%run_scoped3A : memref<!tpu.dma_semaphore, #tpu.memory_space<semaphore_mem>>)
      %dma_wait3A_437 = tpu.memref_slice %arg10[%mul3A_431] : memref<256xi32, #tpu.memory_space<vmem_shared>> -> memref<16xi32, #tpu.memory_space<vmem_shared>>
      %dma_wait3A_438 = tpu.memref_slice %arg10[%mul3A_431] : memref<256xi32, #tpu.memory_space<vmem_shared>> -> memref<16xi32, #tpu.memory_space<vmem_shared>>
      tpu.wait_dma2 semaphore(%run_scoped3A : memref<!tpu.dma_semaphore, #tpu.memory_space<semaphore_mem>>) src(%arg7 : memref<16xi32, #tpu.memory_space<vmem>>) dst(%dma_wait3A_438 : memref<16xi32, #tpu.memory_space<vmem_shared>>)
      tpu.yield
    }) : () -> ()
    %barrier3A = arith.constant 0 : index
    tpu.barrier barrier_id(%barrier3A)
    %eq3A_432 = arith.constant 0 : i32
    %eq3A_433 = arith.cmpi eq, %arg1, %eq3A_432 : i32
    %convert_element_type3A = arith.extui %eq3A_433 : i1 to i32
    %cond3A = arith.constant 0 : i32
    %cond3A_434 = arith.cmpi ne, %convert_element_type3A, %cond3A : i32
    scf.if %cond3A_434 {
      "tpu.region"() ({
        %run_scoped3A = tpu.sem_alloc : memref<!tpu.dma_semaphore, #tpu.memory_space<semaphore_mem>>
        tpu.enqueue_dma source(%arg10 : memref<256xi32, #tpu.memory_space<vmem_shared>>) target(%arg8 : memref<256xi32, #tpu.memory_space<vmem>>) target_semaphore(%run_scoped3A : memref<!tpu.dma_semaphore, #tpu.memory_space<semaphore_mem>>)
        tpu.wait_dma2 semaphore(%run_scoped3A : memref<!tpu.dma_semaphore, #tpu.memory_space<semaphore_mem>>) src(%arg10 : memref<256xi32, #tpu.memory_space<vmem_shared>>) dst(%arg8 : memref<256xi32, #tpu.memory_space<vmem>>)
        tpu.yield
      }) : () -> ()
      %and3A = arith.constant 1 : i32
      %and3A_435 = vector.broadcast %and3A : i32 to vector<16xi32>
      %and3A_436 = arith.andi %iota3A, %and3A_435 : vector<16xi32>
      %get3A = arith.constant 0 : index
      %get3A_437 = tpu.vector_load %arg8[%get3A] {strides = array<i32>} : memref<256xi32, #tpu.memory_space<vmem>>, vector<16xi32>,
      %get3A_438 = vector.shape_cast %get3A_437 : vector<16xi32> to vector<16xi32>
      %lt3A_439 = arith.constant 0 : i32
      %lt3A_440 = vector.broadcast %lt3A_439 : i32 to vector<16xi32>
      %lt3A_441 = arith.cmpi slt, %and3A_436, %lt3A_440 : vector<16xi32>
      %add3A_442 = arith.constant 16 : i32
      %add3A_443 = vector.broadcast %add3A_442 : i32 to vector<16xi32>
      %add3A_444 = arith.addi %and3A_436, %add3A_443 : vector<16xi32>
      %select_n3A_445 = arith.select %lt3A_441, %add3A_444, %and3A_436 : vector<16xi1>, vector<16xi32>
      %broadcast_in_dim3A_446 = vector.shape_cast %select_n3A_445 : vector<16xi32> to vector<16x1xi32>
      %gather3A_447 = vector.shape_cast %broadcast_in_dim3A_446 : vector<16x1xi32> to vector<16xi32>
      %gather3A_448 = tpu.dynamic_gather %get3A_438[%gather3A_447] in [0] : vector<16xi32>, vector<16xi32> -> vector<16xi32>
      %get3A_449 = arith.constant 16 : index
      %get3A_450 = tpu.vector_load %arg8[%get3A_449] {strides = array<i32>} : memref<256xi32, #tpu.memory_space<vmem>>, vector<16xi32>,
      %get3A_451 = vector.shape_cast %get3A_450 : vector<16xi32> to vector<16xi32>
      %lt3A_452 = arith.constant 0 : i32
      %lt3A_453 = vector.broadcast %lt3A_452 : i32 to vector<16xi32>
      %lt3A_454 = arith.cmpi slt, %and3A_436, %lt3A_453 : vector<16xi32>
      %add3A_455 = arith.constant 16 : i32
      %add3A_456 = vector.broadcast %add3A_455 : i32 to vector<16xi32>
      %add3A_457 = arith.addi %and3A_436, %add3A_456 : vector<16xi32>
      %select_n3A_458 = arith.select %lt3A_454, %add3A_457, %and3A_436 : vector<16xi1>, vector<16xi32>
      %broadcast_in_dim3A_459 = vector.shape_cast %select_n3A_458 : vector<16xi32> to vector<16x1xi32>
      %gather3A_460 = vector.shape_cast %broadcast_in_dim3A_459 : vector<16x1xi32> to vector<16xi32>
      %gather3A_461 = tpu.dynamic_gather %get3A_451[%gather3A_460] in [0] : vector<16xi32>, vector<16xi32> -> vector<16xi32>
      %get3A_462 = arith.constant 32 : index
      %get3A_463 = tpu.vector_load %arg8[%get3A_462] {strides = array<i32>} : memref<256xi32, #tpu.memory_space<vmem>>, vector<16xi32>,
      %get3A_464 = vector.shape_cast %get3A_463 : vector<16xi32> to vector<16xi32>
      %lt3A_465 = arith.constant 0 : i32
      %lt3A_466 = vector.broadcast %lt3A_465 : i32 to vector<16xi32>
      %lt3A_467 = arith.cmpi slt, %and3A_436, %lt3A_466 : vector<16xi32>
      %add3A_468 = arith.constant 16 : i32
      %add3A_469 = vector.broadcast %add3A_468 : i32 to vector<16xi32>
      %add3A_470 = arith.addi %and3A_436, %add3A_469 : vector<16xi32>
      %select_n3A_471 = arith.select %lt3A_467, %add3A_470, %and3A_436 : vector<16xi1>, vector<16xi32>
      %broadcast_in_dim3A_472 = vector.shape_cast %select_n3A_471 : vector<16xi32> to vector<16x1xi32>
      %gather3A_473 = vector.shape_cast %broadcast_in_dim3A_472 : vector<16x1xi32> to vector<16xi32>
      %gather3A_474 = tpu.dynamic_gather %get3A_464[%gather3A_473] in [0] : vector<16xi32>, vector<16xi32> -> vector<16xi32>
      %get3A_475 = arith.constant 48 : index
      %get3A_476 = tpu.vector_load %arg8[%get3A_475] {strides = array<i32>} : memref<256xi32, #tpu.memory_space<vmem>>, vector<16xi32>,
      %get3A_477 = vector.shape_cast %get3A_476 : vector<16xi32> to vector<16xi32>
      %lt3A_478 = arith.constant 0 : i32
      %lt3A_479 = vector.broadcast %lt3A_478 : i32 to vector<16xi32>
      %lt3A_480 = arith.cmpi slt, %and3A_436, %lt3A_479 : vector<16xi32>
      %add3A_481 = arith.constant 16 : i32
      %add3A_482 = vector.broadcast %add3A_481 : i32 to vector<16xi32>
      %add3A_483 = arith.addi %and3A_436, %add3A_482 : vector<16xi32>
      %select_n3A_484 = arith.select %lt3A_480, %add3A_483, %and3A_436 : vector<16xi1>, vector<16xi32>
      %broadcast_in_dim3A_485 = vector.shape_cast %select_n3A_484 : vector<16xi32> to vector<16x1xi32>
      %gather3A_486 = vector.shape_cast %broadcast_in_dim3A_485 : vector<16x1xi32> to vector<16xi32>
      %gather3A_487 = tpu.dynamic_gather %get3A_477[%gather3A_486] in [0] : vector<16xi32>, vector<16xi32> -> vector<16xi32>
      %get3A_488 = arith.constant 64 : index
      %get3A_489 = tpu.vector_load %arg8[%get3A_488] {strides = array<i32>} : memref<256xi32, #tpu.memory_space<vmem>>, vector<16xi32>,
      %get3A_490 = vector.shape_cast %get3A_489 : vector<16xi32> to vector<16xi32>
      %lt3A_491 = arith.constant 0 : i32
      %lt3A_492 = vector.broadcast %lt3A_491 : i32 to vector<16xi32>
      %lt3A_493 = arith.cmpi slt, %and3A_436, %lt3A_492 : vector<16xi32>
      %add3A_494 = arith.constant 16 : i32
      %add3A_495 = vector.broadcast %add3A_494 : i32 to vector<16xi32>
      %add3A_496 = arith.addi %and3A_436, %add3A_495 : vector<16xi32>
      %select_n3A_497 = arith.select %lt3A_493, %add3A_496, %and3A_436 : vector<16xi1>, vector<16xi32>
      %broadcast_in_dim3A_498 = vector.shape_cast %select_n3A_497 : vector<16xi32> to vector<16x1xi32>
      %gather3A_499 = vector.shape_cast %broadcast_in_dim3A_498 : vector<16x1xi32> to vector<16xi32>
      %gather3A_500 = tpu.dynamic_gather %get3A_490[%gather3A_499] in [0] : vector<16xi32>, vector<16xi32> -> vector<16xi32>
      %get3A_501 = arith.constant 80 : index
      %get3A_502 = tpu.vector_load %arg8[%get3A_501] {strides = array<i32>} : memref<256xi32, #tpu.memory_space<vmem>>, vector<16xi32>,
      %get3A_503 = vector.shape_cast %get3A_502 : vector<16xi32> to vector<16xi32>
      %lt3A_504 = arith.constant 0 : i32
      %lt3A_505 = vector.broadcast %lt3A_504 : i32 to vector<16xi32>
      %lt3A_506 = arith.cmpi slt, %and3A_436, %lt3A_505 : vector<16xi32>
      %add3A_507 = arith.constant 16 : i32
      %add3A_508 = vector.broadcast %add3A_507 : i32 to vector<16xi32>
      %add3A_509 = arith.addi %and3A_436, %add3A_508 : vector<16xi32>
      %select_n3A_510 = arith.select %lt3A_506, %add3A_509, %and3A_436 : vector<16xi1>, vector<16xi32>
      %broadcast_in_dim3A_511 = vector.shape_cast %select_n3A_510 : vector<16xi32> to vector<16x1xi32>
      %gather3A_512 = vector.shape_cast %broadcast_in_dim3A_511 : vector<16x1xi32> to vector<16xi32>
      %gather3A_513 = tpu.dynamic_gather %get3A_503[%gather3A_512] in [0] : vector<16xi32>, vector<16xi32> -> vector<16xi32>
      %get3A_514 = arith.constant 96 : index
      %get3A_515 = tpu.vector_load %arg8[%get3A_514] {strides = array<i32>} : memref<256xi32, #tpu.memory_space<vmem>>, vector<16xi32>,
      %get3A_516 = vector.shape_cast %get3A_515 : vector<16xi32> to vector<16xi32>
      %lt3A_517 = arith.constant 0 : i32
      %lt3A_518 = vector.broadcast %lt3A_517 : i32 to vector<16xi32>
      %lt3A_519 = arith.cmpi slt, %and3A_436, %lt3A_518 : vector<16xi32>
      %add3A_520 = arith.constant 16 : i32
      %add3A_521 = vector.broadcast %add3A_520 : i32 to vector<16xi32>
      %add3A_522 = arith.addi %and3A_436, %add3A_521 : vector<16xi32>
      %select_n3A_523 = arith.select %lt3A_519, %add3A_522, %and3A_436 : vector<16xi1>, vector<16xi32>
      %broadcast_in_dim3A_524 = vector.shape_cast %select_n3A_523 : vector<16xi32> to vector<16x1xi32>
      %gather3A_525 = vector.shape_cast %broadcast_in_dim3A_524 : vector<16x1xi32> to vector<16xi32>
      %gather3A_526 = tpu.dynamic_gather %get3A_516[%gather3A_525] in [0] : vector<16xi32>, vector<16xi32> -> vector<16xi32>
      %get3A_527 = arith.constant 112 : index
      %get3A_528 = tpu.vector_load %arg8[%get3A_527] {strides = array<i32>} : memref<256xi32, #tpu.memory_space<vmem>>, vector<16xi32>,
      %get3A_529 = vector.shape_cast %get3A_528 : vector<16xi32> to vector<16xi32>
      %lt3A_530 = arith.constant 0 : i32
      %lt3A_531 = vector.broadcast %lt3A_530 : i32 to vector<16xi32>
      %lt3A_532 = arith.cmpi slt, %and3A_436, %lt3A_531 : vector<16xi32>
      %add3A_533 = arith.constant 16 : i32
      %add3A_534 = vector.broadcast %add3A_533 : i32 to vector<16xi32>
      %add3A_535 = arith.addi %and3A_436, %add3A_534 : vector<16xi32>
      %select_n3A_536 = arith.select %lt3A_532, %add3A_535, %and3A_436 : vector<16xi1>, vector<16xi32>
      %broadcast_in_dim3A_537 = vector.shape_cast %select_n3A_536 : vector<16xi32> to vector<16x1xi32>
      %gather3A_538 = vector.shape_cast %broadcast_in_dim3A_537 : vector<16x1xi32> to vector<16xi32>
      %gather3A_539 = tpu.dynamic_gather %get3A_529[%gather3A_538] in [0] : vector<16xi32>, vector<16xi32> -> vector<16xi32>
      %lt3A_540 = arith.constant 14 : i32
      %lt3A_541 = vector.broadcast %lt3A_540 : i32 to vector<16xi32>
      %lt3A_542 = arith.cmpi slt, %iota3A, %lt3A_541 : vector<16xi32>
      %select_n3A_543 = arith.select %lt3A_542, %gather3A_526, %gather3A_539 : vector<16xi1>, vector<16xi32>
      %lt3A_544 = arith.constant 12 : i32
      %lt3A_545 = vector.broadcast %lt3A_544 : i32 to vector<16xi32>
      %lt3A_546 = arith.cmpi slt, %iota3A, %lt3A_545 : vector<16xi32>
      %select_n3A_547 = arith.select %lt3A_546, %gather3A_513, %select_n3A_543 : vector<16xi1>, vector<16xi32>
      %lt3A_548 = arith.constant 10 : i32
      %lt3A_549 = vector.broadcast %lt3A_548 : i32 to vector<16xi32>
      %lt3A_550 = arith.cmpi slt, %iota3A, %lt3A_549 : vector<16xi32>
      %select_n3A_551 = arith.select %lt3A_550, %gather3A_500, %select_n3A_547 : vector<16xi1>, vector<16xi32>
      %lt3A_552 = arith.constant 8 : i32
      %lt3A_553 = vector.broadcast %lt3A_552 : i32 to vector<16xi32>
      %lt3A_554 = arith.cmpi slt, %iota3A, %lt3A_553 : vector<16xi32>
      %select_n3A_555 = arith.select %lt3A_554, %gather3A_487, %select_n3A_551 : vector<16xi1>, vector<16xi32>
      %lt3A_556 = arith.constant 6 : i32
      %lt3A_557 = vector.broadcast %lt3A_556 : i32 to vector<16xi32>
      %lt3A_558 = arith.cmpi slt, %iota3A, %lt3A_557 : vector<16xi32>
      %select_n3A_559 = arith.select %lt3A_558, %gather3A_474, %select_n3A_555 : vector<16xi1>, vector<16xi32>
      %lt3A_560 = arith.constant 4 : i32
      %lt3A_561 = vector.broadcast %lt3A_560 : i32 to vector<16xi32>
      %lt3A_562 = arith.cmpi slt, %iota3A, %lt3A_561 : vector<16xi32>
      %select_n3A_563 = arith.select %lt3A_562, %gather3A_461, %select_n3A_559 : vector<16xi1>, vector<16xi32>
      %lt3A_564 = arith.constant 2 : i32
      %lt3A_565 = vector.broadcast %lt3A_564 : i32 to vector<16xi32>
      %lt3A_566 = arith.cmpi slt, %iota3A, %lt3A_565 : vector<16xi32>
      %select_n3A_567 = arith.select %lt3A_566, %gather3A_448, %select_n3A_563 : vector<16xi1>, vector<16xi32>
      %swap3A_568 = arith.constant 0 : index
      %swap3A_569 = tpu.vector_load %arg9[%swap3A_568] {strides = array<i32>} : memref<32xi32, #tpu.memory_space<vmem>>, vector<16xi32>,
      %swap3A_570 = vector.shape_cast %swap3A_569 : vector<16xi32> to vector<16xi32>
      %swap3A_571 = vector.shape_cast %select_n3A_567 : vector<16xi32> to vector<16xi32>
      tpu.vector_store %arg9[%swap3A_568], %swap3A_571 {strides = array<i32>} : memref<32xi32, #tpu.memory_space<vmem>>, vector<16xi32>,
      %get3A_572 = arith.constant 128 : index
      %get3A_573 = tpu.vector_load %arg8[%get3A_572] {strides = array<i32>} : memref<256xi32, #tpu.memory_space<vmem>>, vector<16xi32>,
      %get3A_574 = vector.shape_cast %get3A_573 : vector<16xi32> to vector<16xi32>
      %lt3A_575 = arith.constant 0 : i32
      %lt3A_576 = vector.broadcast %lt3A_575 : i32 to vector<16xi32>
      %lt3A_577 = arith.cmpi slt, %and3A_436, %lt3A_576 : vector<16xi32>
      %add3A_578 = arith.constant 16 : i32
      %add3A_579 = vector.broadcast %add3A_578 : i32 to vector<16xi32>
      %add3A_580 = arith.addi %and3A_436, %add3A_579 : vector<16xi32>
      %select_n3A_581 = arith.select %lt3A_577, %add3A_580, %and3A_436 : vector<16xi1>, vector<16xi32>
      %broadcast_in_dim3A_582 = vector.shape_cast %select_n3A_581 : vector<16xi32> to vector<16x1xi32>
      %gather3A_583 = vector.shape_cast %broadcast_in_dim3A_582 : vector<16x1xi32> to vector<16xi32>
      %gather3A_584 = tpu.dynamic_gather %get3A_574[%gather3A_583] in [0] : vector<16xi32>, vector<16xi32> -> vector<16xi32>
      %get3A_585 = arith.constant 144 : index
      %get3A_586 = tpu.vector_load %arg8[%get3A_585] {strides = array<i32>} : memref<256xi32, #tpu.memory_space<vmem>>, vector<16xi32>,
      %get3A_587 = vector.shape_cast %get3A_586 : vector<16xi32> to vector<16xi32>
      %lt3A_588 = arith.constant 0 : i32
      %lt3A_589 = vector.broadcast %lt3A_588 : i32 to vector<16xi32>
      %lt3A_590 = arith.cmpi slt, %and3A_436, %lt3A_589 : vector<16xi32>
      %add3A_591 = arith.constant 16 : i32
      %add3A_592 = vector.broadcast %add3A_591 : i32 to vector<16xi32>
      %add3A_593 = arith.addi %and3A_436, %add3A_592 : vector<16xi32>
      %select_n3A_594 = arith.select %lt3A_590, %add3A_593, %and3A_436 : vector<16xi1>, vector<16xi32>
      %broadcast_in_dim3A_595 = vector.shape_cast %select_n3A_594 : vector<16xi32> to vector<16x1xi32>
      %gather3A_596 = vector.shape_cast %broadcast_in_dim3A_595 : vector<16x1xi32> to vector<16xi32>
      %gather3A_597 = tpu.dynamic_gather %get3A_587[%gather3A_596] in [0] : vector<16xi32>, vector<16xi32> -> vector<16xi32>
      %get3A_598 = arith.constant 160 : index
      %get3A_599 = tpu.vector_load %arg8[%get3A_598] {strides = array<i32>} : memref<256xi32, #tpu.memory_space<vmem>>, vector<16xi32>,
      %get3A_600 = vector.shape_cast %get3A_599 : vector<16xi32> to vector<16xi32>
      %lt3A_601 = arith.constant 0 : i32
      %lt3A_602 = vector.broadcast %lt3A_601 : i32 to vector<16xi32>
      %lt3A_603 = arith.cmpi slt, %and3A_436, %lt3A_602 : vector<16xi32>
      %add3A_604 = arith.constant 16 : i32
      %add3A_605 = vector.broadcast %add3A_604 : i32 to vector<16xi32>
      %add3A_606 = arith.addi %and3A_436, %add3A_605 : vector<16xi32>
      %select_n3A_607 = arith.select %lt3A_603, %add3A_606, %and3A_436 : vector<16xi1>, vector<16xi32>
      %broadcast_in_dim3A_608 = vector.shape_cast %select_n3A_607 : vector<16xi32> to vector<16x1xi32>
      %gather3A_609 = vector.shape_cast %broadcast_in_dim3A_608 : vector<16x1xi32> to vector<16xi32>
      %gather3A_610 = tpu.dynamic_gather %get3A_600[%gather3A_609] in [0] : vector<16xi32>, vector<16xi32> -> vector<16xi32>
      %get3A_611 = arith.constant 176 : index
      %get3A_612 = tpu.vector_load %arg8[%get3A_611] {strides = array<i32>} : memref<256xi32, #tpu.memory_space<vmem>>, vector<16xi32>,
      %get3A_613 = vector.shape_cast %get3A_612 : vector<16xi32> to vector<16xi32>
      %lt3A_614 = arith.constant 0 : i32
      %lt3A_615 = vector.broadcast %lt3A_614 : i32 to vector<16xi32>
      %lt3A_616 = arith.cmpi slt, %and3A_436, %lt3A_615 : vector<16xi32>
      %add3A_617 = arith.constant 16 : i32
      %add3A_618 = vector.broadcast %add3A_617 : i32 to vector<16xi32>
      %add3A_619 = arith.addi %and3A_436, %add3A_618 : vector<16xi32>
      %select_n3A_620 = arith.select %lt3A_616, %add3A_619, %and3A_436 : vector<16xi1>, vector<16xi32>
      %broadcast_in_dim3A_621 = vector.shape_cast %select_n3A_620 : vector<16xi32> to vector<16x1xi32>
      %gather3A_622 = vector.shape_cast %broadcast_in_dim3A_621 : vector<16x1xi32> to vector<16xi32>
      %gather3A_623 = tpu.dynamic_gather %get3A_613[%gather3A_622] in [0] : vector<16xi32>, vector<16xi32> -> vector<16xi32>
      %get3A_624 = arith.constant 192 : index
      %get3A_625 = tpu.vector_load %arg8[%get3A_624] {strides = array<i32>} : memref<256xi32, #tpu.memory_space<vmem>>, vector<16xi32>,
      %get3A_626 = vector.shape_cast %get3A_625 : vector<16xi32> to vector<16xi32>
      %lt3A_627 = arith.constant 0 : i32
      %lt3A_628 = vector.broadcast %lt3A_627 : i32 to vector<16xi32>
      %lt3A_629 = arith.cmpi slt, %and3A_436, %lt3A_628 : vector<16xi32>
      %add3A_630 = arith.constant 16 : i32
      %add3A_631 = vector.broadcast %add3A_630 : i32 to vector<16xi32>
      %add3A_632 = arith.addi %and3A_436, %add3A_631 : vector<16xi32>
      %select_n3A_633 = arith.select %lt3A_629, %add3A_632, %and3A_436 : vector<16xi1>, vector<16xi32>
      %broadcast_in_dim3A_634 = vector.shape_cast %select_n3A_633 : vector<16xi32> to vector<16x1xi32>
      %gather3A_635 = vector.shape_cast %broadcast_in_dim3A_634 : vector<16x1xi32> to vector<16xi32>
      %gather3A_636 = tpu.dynamic_gather %get3A_626[%gather3A_635] in [0] : vector<16xi32>, vector<16xi32> -> vector<16xi32>
      %get3A_637 = arith.constant 208 : index
      %get3A_638 = tpu.vector_load %arg8[%get3A_637] {strides = array<i32>} : memref<256xi32, #tpu.memory_space<vmem>>, vector<16xi32>,
      %get3A_639 = vector.shape_cast %get3A_638 : vector<16xi32> to vector<16xi32>
      %lt3A_640 = arith.constant 0 : i32
      %lt3A_641 = vector.broadcast %lt3A_640 : i32 to vector<16xi32>
      %lt3A_642 = arith.cmpi slt, %and3A_436, %lt3A_641 : vector<16xi32>
      %add3A_643 = arith.constant 16 : i32
      %add3A_644 = vector.broadcast %add3A_643 : i32 to vector<16xi32>
      %add3A_645 = arith.addi %and3A_436, %add3A_644 : vector<16xi32>
      %select_n3A_646 = arith.select %lt3A_642, %add3A_645, %and3A_436 : vector<16xi1>, vector<16xi32>
      %broadcast_in_dim3A_647 = vector.shape_cast %select_n3A_646 : vector<16xi32> to vector<16x1xi32>
      %gather3A_648 = vector.shape_cast %broadcast_in_dim3A_647 : vector<16x1xi32> to vector<16xi32>
      %gather3A_649 = tpu.dynamic_gather %get3A_639[%gather3A_648] in [0] : vector<16xi32>, vector<16xi32> -> vector<16xi32>
      %get3A_650 = arith.constant 224 : index
      %get3A_651 = tpu.vector_load %arg8[%get3A_650] {strides = array<i32>} : memref<256xi32, #tpu.memory_space<vmem>>, vector<16xi32>,
      %get3A_652 = vector.shape_cast %get3A_651 : vector<16xi32> to vector<16xi32>
      %lt3A_653 = arith.constant 0 : i32
      %lt3A_654 = vector.broadcast %lt3A_653 : i32 to vector<16xi32>
      %lt3A_655 = arith.cmpi slt, %and3A_436, %lt3A_654 : vector<16xi32>
      %add3A_656 = arith.constant 16 : i32
      %add3A_657 = vector.broadcast %add3A_656 : i32 to vector<16xi32>
      %add3A_658 = arith.addi %and3A_436, %add3A_657 : vector<16xi32>
      %select_n3A_659 = arith.select %lt3A_655, %add3A_658, %and3A_436 : vector<16xi1>, vector<16xi32>
      %broadcast_in_dim3A_660 = vector.shape_cast %select_n3A_659 : vector<16xi32> to vector<16x1xi32>
      %gather3A_661 = vector.shape_cast %broadcast_in_dim3A_660 : vector<16x1xi32> to vector<16xi32>
      %gather3A_662 = tpu.dynamic_gather %get3A_652[%gather3A_661] in [0] : vector<16xi32>, vector<16xi32> -> vector<16xi32>
      %get3A_663 = arith.constant 240 : index
      %get3A_664 = tpu.vector_load %arg8[%get3A_663] {strides = array<i32>} : memref<256xi32, #tpu.memory_space<vmem>>, vector<16xi32>,
      %get3A_665 = vector.shape_cast %get3A_664 : vector<16xi32> to vector<16xi32>
      %lt3A_666 = arith.constant 0 : i32
      %lt3A_667 = vector.broadcast %lt3A_666 : i32 to vector<16xi32>
      %lt3A_668 = arith.cmpi slt, %and3A_436, %lt3A_667 : vector<16xi32>
      %add3A_669 = arith.constant 16 : i32
      %add3A_670 = vector.broadcast %add3A_669 : i32 to vector<16xi32>
      %add3A_671 = arith.addi %and3A_436, %add3A_670 : vector<16xi32>
      %select_n3A_672 = arith.select %lt3A_668, %add3A_671, %and3A_436 : vector<16xi1>, vector<16xi32>
      %broadcast_in_dim3A_673 = vector.shape_cast %select_n3A_672 : vector<16xi32> to vector<16x1xi32>
      %gather3A_674 = vector.shape_cast %broadcast_in_dim3A_673 : vector<16x1xi32> to vector<16xi32>
      %gather3A_675 = tpu.dynamic_gather %get3A_665[%gather3A_674] in [0] : vector<16xi32>, vector<16xi32> -> vector<16xi32>
      %lt3A_676 = arith.constant 14 : i32
      %lt3A_677 = vector.broadcast %lt3A_676 : i32 to vector<16xi32>
      %lt3A_678 = arith.cmpi slt, %iota3A, %lt3A_677 : vector<16xi32>
      %select_n3A_679 = arith.select %lt3A_678, %gather3A_662, %gather3A_675 : vector<16xi1>, vector<16xi32>
      %lt3A_680 = arith.constant 12 : i32
      %lt3A_681 = vector.broadcast %lt3A_680 : i32 to vector<16xi32>
      %lt3A_682 = arith.cmpi slt, %iota3A, %lt3A_681 : vector<16xi32>
      %select_n3A_683 = arith.select %lt3A_682, %gather3A_649, %select_n3A_679 : vector<16xi1>, vector<16xi32>
      %lt3A_684 = arith.constant 10 : i32
      %lt3A_685 = vector.broadcast %lt3A_684 : i32 to vector<16xi32>
      %lt3A_686 = arith.cmpi slt, %iota3A, %lt3A_685 : vector<16xi32>
      %select_n3A_687 = arith.select %lt3A_686, %gather3A_636, %select_n3A_683 : vector<16xi1>, vector<16xi32>
      %lt3A_688 = arith.constant 8 : i32
      %lt3A_689 = vector.broadcast %lt3A_688 : i32 to vector<16xi32>
      %lt3A_690 = arith.cmpi slt, %iota3A, %lt3A_689 : vector<16xi32>
      %select_n3A_691 = arith.select %lt3A_690, %gather3A_623, %select_n3A_687 : vector<16xi1>, vector<16xi32>
      %lt3A_692 = arith.constant 6 : i32
      %lt3A_693 = vector.broadcast %lt3A_692 : i32 to vector<16xi32>
      %lt3A_694 = arith.cmpi slt, %iota3A, %lt3A_693 : vector<16xi32>
      %select_n3A_695 = arith.select %lt3A_694, %gather3A_610, %select_n3A_691 : vector<16xi1>, vector<16xi32>
      %lt3A_696 = arith.constant 4 : i32
      %lt3A_697 = vector.broadcast %lt3A_696 : i32 to vector<16xi32>
      %lt3A_698 = arith.cmpi slt, %iota3A, %lt3A_697 : vector<16xi32>
      %select_n3A_699 = arith.select %lt3A_698, %gather3A_597, %select_n3A_695 : vector<16xi1>, vector<16xi32>
      %lt3A_700 = arith.constant 2 : i32
      %lt3A_701 = vector.broadcast %lt3A_700 : i32 to vector<16xi32>
      %lt3A_702 = arith.cmpi slt, %iota3A, %lt3A_701 : vector<16xi32>
      %select_n3A_703 = arith.select %lt3A_702, %gather3A_584, %select_n3A_699 : vector<16xi1>, vector<16xi32>
      %swap3A_704 = arith.constant 16 : index
      %swap3A_705 = tpu.vector_load %arg9[%swap3A_704] {strides = array<i32>} : memref<32xi32, #tpu.memory_space<vmem>>, vector<16xi32>,
      %swap3A_706 = vector.shape_cast %swap3A_705 : vector<16xi32> to vector<16xi32>
      %swap3A_707 = vector.shape_cast %select_n3A_703 : vector<16xi32> to vector<16xi32>
      tpu.vector_store %arg9[%swap3A_704], %swap3A_707 {strides = array<i32>} : memref<32xi32, #tpu.memory_space<vmem>>, vector<16xi32>,
      %mul3A_708 = arith.constant 32 : i32
      %mul3A_709 = arith.muli %arg0, %mul3A_708 : i32
      "tpu.region"() ({
        %run_scoped3A = tpu.sem_alloc : memref<!tpu.dma_semaphore, #tpu.memory_space<semaphore_mem>>
        %dma_start3A_710 = tpu.memref_slice %arg3[%mul3A_709] : memref<64xi32, #tpu.memory_space<hbm>> -> memref<32xi32, #tpu.memory_space<hbm>>
        %dma_start3A_711 = tpu.memref_slice %arg3[%mul3A_709] : memref<64xi32, #tpu.memory_space<hbm>> -> memref<32xi32, #tpu.memory_space<hbm>>
        tpu.enqueue_dma source(%arg9 : memref<32xi32, #tpu.memory_space<vmem>>) target(%dma_start3A_711 : memref<32xi32, #tpu.memory_space<hbm>>) target_semaphore(%run_scoped3A : memref<!tpu.dma_semaphore, #tpu.memory_space<semaphore_mem>>)
        %dma_wait3A_712 = tpu.memref_slice %arg3[%mul3A_709] : memref<64xi32, #tpu.memory_space<hbm>> -> memref<32xi32, #tpu.memory_space<hbm>>
        %dma_wait3A_713 = tpu.memref_slice %arg3[%mul3A_709] : memref<64xi32, #tpu.memory_space<hbm>> -> memref<32xi32, #tpu.memory_space<hbm>>
        tpu.wait_dma2 semaphore(%run_scoped3A : memref<!tpu.dma_semaphore, #tpu.memory_space<semaphore_mem>>) src(%arg9 : memref<32xi32, #tpu.memory_space<vmem>>) dst(%dma_wait3A_713 : memref<32xi32, #tpu.memory_space<hbm>>)
        tpu.yield
      }) : () -> ()
    } else {
    }
    return
  }
}

module attributes {stable_mosaic.version = 14 : i64} {
  func.func @_tc_body(%arg0: i32, %arg1: memref<16x32768xf32, #tpu.memory_space<vmem>>, %arg2: memref<16x128xi32, #tpu.memory_space<vmem>>) attributes {dimension_semantics = [#tpu.dimension_semantics<arbitrary>], iteration_bounds = array<i64: 4>, scalar_prefetch = 0 : i64, scratch_operands = 0 : i64, tpu.core_type = #tpu.core_type<tc>, window_params = [{transform_indices = @transform_0, window_bounds = array<i64: 16, 32768>}, {transform_indices = @transform_1, window_bounds = array<i64: 16, 128>}]} {
    %get3A = arith.constant 0 : index
    %get3A_0 = arith.constant 0 : index
    %get3A_1 = vector.load %arg1[%get3A, %get3A_0] : memref<16x32768xf32, #tpu.memory_space<vmem>>, vector<16x32768xf32>
    %iota3A = tpu.iota {dimensions = array<i32: 1>} : vector<16x32768xi32>
    %reduce_max3A = arith.constant dense<0xFF800000> : vector<16xf32>
    %reduce_max3A_2 = vector.multi_reduction <maximumf>, %get3A_1, %reduce_max3A [1] : vector<16x32768xf32> to vector<16xf32>
    %broadcast_in_dim3A = vector.shape_cast %reduce_max3A_2 : vector<16xf32> to vector<16x1xf32>
    %eq3A = vector.broadcast %broadcast_in_dim3A : vector<16x1xf32> to vector<16x32768xf32>
    %eq3A_3 = arith.cmpf oeq, %get3A_1, %eq3A : vector<16x32768xf32>
    %jit3A = arith.constant 2147483647 : i32
    %broadcast_in_dim3A_4 = vector.broadcast %jit3A : i32 to vector<16x32768xi32>
    %select_n3A = arith.select %eq3A_3, %iota3A, %broadcast_in_dim3A_4 : vector<16x32768xi1>, vector<16x32768xi32>
    %reduce_min3A = arith.constant dense<2147483647> : vector<16xi32>
    %reduce_min3A_5 = vector.multi_reduction <minsi>, %select_n3A, %reduce_min3A [1] : vector<16x32768xi32> to vector<16xi32>
    %broadcast_in_dim3A_6 = vector.shape_cast %reduce_min3A_5 : vector<16xi32> to vector<16x1xi32>
    %broadcast_in_dim3A_7 = vector.shape_cast %broadcast_in_dim3A_6 : vector<16x1xi32> to vector<16x1xi32>
    %broadcast_in_dim3A_8 = vector.broadcast %broadcast_in_dim3A_7 : vector<16x1xi32> to vector<16x128xi32>
    %swap3A = arith.constant 0 : index
    %swap3A_9 = arith.constant 0 : index
    %swap3A_10 = vector.load %arg2[%swap3A, %swap3A_9] : memref<16x128xi32, #tpu.memory_space<vmem>>, vector<16x128xi32>
    tpu.vector_store %arg2[%swap3A, %swap3A_9], %broadcast_in_dim3A_8 {strides = array<i32>} : memref<16x128xi32, #tpu.memory_space<vmem>>, vector<16x128xi32>,
    return
  }
  func.func @transform_0(%arg0: i32) -> (i32, i32) {
    %add3A = arith.constant 4 : i32
    %add3A_0 = arith.addi %arg0, %add3A : i32
    %c0_i32 = arith.constant 0 : i32
    %c0_i32_1 = arith.constant 0 : i32
    return %add3A_0, %c0_i32 : i32, i32
  }
  func.func @transform_1(%arg0: i32) -> (i32, i32) {
    %c0_i32 = arith.constant 0 : i32
    %c0_i32_0 = arith.constant 0 : i32
    return %arg0, %c0_i32 : i32, i32
  }
}

</mosaic_0001>

<sc_bundles>
// kernel: kernel.4.cloned.1.call-start
scs
__scs_entry_jumppad:
0x0: {  	(pc) =	sbr.rel $0x88, $3  }
0x1: {  	(tag) =	ssettag $0x0;
	lr =	simm.s32 $0x1  }
0x2: {  	[smem:$0x3FA0] =	sst lr;
	_ =	strace $0xD0000000  }
0x3: {  	_ = 	snop  }
0x4: {  	_ = 	snop  }
0x5: {  	_ = 	snop  }
0x6: {  	_ = 	snop  }
0x7: {  	_ = 	snop  }
__scs_overlays_trampoline_lowered:
0x8: {  	[smem:$0x3FAF] =	sst s0  }
0x9: {  	[smem:$0x3FB0] =	sst s1  }
0xa: {  	[smem:$0x3FB1] =	sst s2  }
0xb: {  	[smem:$0x3FB2] =	sst s3  }
0xc: {  	[smem:$0x3FB3] =	sst s4  }
0xd: {  	[smem:$0x3FB4] =	sst s5  }
0xe: {  	[smem:$0x3FB5] =	sst s6  }
0xf: {  	[smem:$0x3FB6] =	sst s7  }
0x10: {  	[smem:$0x3FB7] =	sst s8  }
0x11: {  	[smem:$0x3FB8] =	sst s9;
	s0 =	simm.s32 @!p0 $0x0  }
0x12: {  	s1 =	sld [smem:$0x3F9E];
	s0 =	simm.s32 @p0 $0x1  }
0x13: {  	[smem:$0x3FB9] =	sst s0;
	s0 =	simm.s32 @!p1 $0x0  }
0x14: {  	s2 =	sld [smem:$0x3F9D];
	s0 =	simm.s32 @p1 $0x1  }
0x15: {  	[smem:$0x3FBA] =	sst s0;
	s0 =	simm.s32 @!p2 $0x0  }
0x16: {  	s3 =	sld [smem:$0x3FDB];
	s0 =	simm.s32 @p2 $0x1  }
0x17: {  	s4 =	simm.s32 $0x1BF5;
	[smem:$0x3FBC] =	sst s0  }
0x18: {  	s0 =	sld [smem:$0x3F9F];
	_ =	swait.ge [sflag:s4], $0x0  }
0x19: {  	s7 =	sld [smem:$0x3FA0]  }
0x1a: {  	s8 =	sadd.s32 $0xFFFFE003, lr  }
0x1b: {  	s9 =	sadd.s32 $0xFFFFFEF7, lr;
	s5 =	simm.s32 $0xFFFFFFFF;
	p2 =	slt.u32 s8, $0xFFFFF086  }
0x1c: {  	p1 =	slt.u32 s9, $0xF7A;
	s5 =	simm.s32 @!p2 $0x0  }
0x1d: {  	s5 =	simm.s32 @p1 $0x1;
	p0 =	seq.s32 s7, s2  }
0x1e: {  	s7 =	smul.u32 @!p0 $0xF7A, s2;
	p2 =	seq.s32 @!p0 s5, $0x0  }
0x1f: {  	s9 =	smul.u32 $0xF7A, s1;
	s8 =	simm.s32 @!p0 $0x1BF5;
	p2 =	por !p2, p0  }
0x20: {  	[sflag:s8] =	ssyncset.s32 @!p0 $0xFFFFF086;
	s6 =	sadd.s32 @!p0 s3, s7;
	s7 =	simm.s32 @!p0 $0x108  }
0x21: {  	s3 =	sadd.s32 s3, s9;
	s6 =	sadd.s32 @!p0 $0x88, s6;
	s7 =	simm.s32 @p2 $0x1082  }
0x22: {  	[simem:s7], [sflag:s8] =	dma.local @!p0 [hbm:s6], $0xF7A  }
0x23: {  	s9 =	sor.u32 $0xD0000000, s2;
	s6 =	simm.s32 $0x108;
	_ =	swait.ge @!p0 [sflag:s8], $0x0  }
0x24: {  	s3 =	sadd.s32 $0x88, s3;
	s6 =	simm.s32 @!p1 $0x1082;
	[sflag:s4] =	ssyncset.s32 $0xFFFFF086  }
0x25: {  	[simem:s6], [sflag:s4] =	dma.local [hbm:s3], $0xF7A  }
0x26: {  	[smem:$0x3FA0] =	sst s1;
	(tag) =	ssettag s2;
	_ =	strace s9  }
0x27: {  	s1 =	sld [smem:$0x3FB0]  }
0x28: {  	s2 =	sld [smem:$0x3FB1]  }
0x29: {  	s4 =	sld [smem:$0x3FB3]  }
0x2a: {  	p0 =	seq.s32 s5, $0x0;
	s5 =	sld [smem:$0x3FB4]  }
0x2b: {  	s6 =	sld [smem:$0x3FB5]  }
0x2c: {  	s7 =	sld [smem:$0x3FB6]  }
0x2d: {  	s3 =	simm.s32 $0x108;
	s8 =	sld [smem:$0x3FB7]  }
0x2e: {  	s3 =	simm.s32 @!p0 $0x1082;
	s9 =	sld [smem:$0x3FB8]  }
0x2f: {  	lr =	sadd.s32 s0, s3;
	s0 =	sld [smem:$0x3FAF]  }
0x30: {  	s3 =	sld [smem:$0x3FB2]  }
0x31: {  	[smem:$0x3FBB] =	sst s10  }
0x32: {  	s10 =	sld [smem:$0x3FB9];
	_ =	sdelay $0x3  }
0x33: {  	p0 =	seq.s32 s10, $0x1;
	s10 =	sld [smem:$0x3FBB];
	_ =	sdelay $0x3  }
0x34: {  	[smem:$0x3FBB] =	sst s10  }
0x35: {  	s10 =	sld [smem:$0x3FBA];
	_ =	sdelay $0x3  }
0x36: {  	p1 =	seq.s32 s10, $0x1;
	s10 =	sld [smem:$0x3FBB];
	_ =	sdelay $0x3  }
0x37: {  	[smem:$0x3FBB] =	sst s10  }
0x38: {  	s10 =	sld [smem:$0x3FBC]  }
0x39: {  	_ = 	snop;
	(pc) =	sbr.ind lr, $3  }
0x3a: {  	_ = 	snop  }
0x3b: {  	_ = 	snop  }
0x3c: {  	p2 =	seq.s32 s10, $0x1;
	s10 =	sld [smem:$0x3FBB]  }
0x3d: {  	_ =	shalt  }
0x3e: {  	_ =	shalt  }
0x3f: {  	_ =	shalt  }
0x40: {  	_ =	shalt  }
0x41: {  	_ =	shalt  }
0x42: {  	_ =	shalt  }
0x43: {  	_ =	shalt  }
0x44: {  	_ =	shalt  }
0x45: {  	_ =	shalt  }
0x46: {  	_ =	shalt  }
0x47: {  	_ =	shalt  }
0x48: {  	_ =	shalt  }
0x49: {  	_ =	shalt  }
0x4a: {  	_ =	shalt  }
0x4b: {  	_ =	shalt  }
0x4c: {  	_ =	shalt  }
0x4d: {  	_ =	shalt  }
0x4e: {  	_ =	shalt  }
0x4f: {  	_ =	shalt  }
0x50: {  	_ =	shalt  }
0x51: {  	_ =	shalt  }
0x52: {  	_ =	shalt  }
0x53: {  	_ =	shalt  }
0x54: {  	_ =	shalt  }
0x55: {  	_ =	shalt  }
0x56: {  	_ =	shalt  }
0x57: {  	_ =	shalt  }
0x58: {  	_ =	shalt  }
0x59: {  	_ =	shalt  }
0x5a: {  	_ =	shalt  }
0x5b: {  	_ =	shalt  }
0x5c: {  	_ =	shalt  }
0x5d: {  	_ =	shalt  }
0x5e: {  	_ =	shalt  }
0x5f: {  	_ =	shalt  }
0x60: {  	_ =	shalt  }
0x61: {  	_ =	shalt  }
0x62: {  	_ =	shalt  }
0x63: {  	_ =	shalt  }
0x64: {  	_ =	shalt  }
0x65: {  	_ =	shalt  }
0x66: {  	_ =	shalt  }
0x67: {  	_ =	shalt  }
0x68: {  	_ =	shalt  }
0x69: {  	_ =	shalt  }
0x6a: {  	_ =	shalt  }
0x6b: {  	_ =	shalt  }
0x6c: {  	_ =	shalt  }
0x6d: {  	_ =	shalt  }
0x6e: {  	_ =	shalt  }
0x6f: {  	_ =	shalt  }
0x70: {  	_ =	shalt  }
0x71: {  	_ =	shalt  }
0x72: {  	_ =	shalt  }
0x73: {  	_ =	shalt  }
0x74: {  	_ =	shalt  }
0x75: {  	_ =	shalt  }
0x76: {  	_ =	shalt  }
0x77: {  	_ =	shalt  }
0x78: {  	_ =	shalt  }
0x79: {  	_ =	shalt  }
0x7a: {  	_ =	shalt  }
0x7b: {  	_ =	shalt  }
0x7c: {  	_ =	shalt  }
0x7d: {  	_ =	shalt  }
0x7e: {  	_ =	shalt  }
0x7f: {  	_ =	shalt  }
0x80: {  	_ =	shalt  }
0x81: {  	_ =	shalt  }
0x82: {  	_ =	shalt  }
0x83: {  	_ =	shalt  }
0x84: {  	_ =	shalt  }
0x85: {  	_ =	shalt  }
0x86: {  	_ =	shalt  }
0x87: {  	_ =	shalt  }
.Lfunc_end0:
.L_simem_size_0:
called_computation_lowered:
.L_overlay_start_0:
0x88: {  	s2 =	sld [smem:$0x3FD9]  }
0x89: {  	s3 =	sld [smem:$0x3FFE];
	_ =	sdelay $0x1  }
0x8a: {  	s1 =	srdreg.scid  }
0x8b: {  	s0 =	sand.u32 $0x1, s1  }
0x8c: {  	s17 =	sshll.u32 s0, $0xA;
	s2 =	sadd.s32 s3, s2  }
0x8d: {  	s2 =	sadd.s32 s2, s17  }
0x8e: {  	[smem:$0x3FC7] =	sst s2  }
0x8f: {  	_ = 	snop  }
0x90: {  	s2 =	sld [smem:$0x3FC9];
	(tm) =	ssettm $0x1  }
0x91: {  	s18 =	sld [smem:$0x3FFB];
	_ =	sdelay $0x3  }
0x92: {  	_ =	strace s18  }
0x93: {  	s3 =	sld [smem:$0x3FFC];
	_ =	sdelay $0x3  }
0x94: {  	_ =	strace s3  }
0x95: {  	s3 =	sld [smem:$0x3FFD];
	_ =	sdelay $0x3  }
0x96: {  	_ =	strace s3  }
0x97: {  	_ =	strace $0x8FFFFFFF  }
0x98: {  	s19 =	sld [smem:$0x3FDB];
	_ =	sdelay $0x1  }
0x99: {  	s4 =	simm.s32 $_scs_section_size  }
0x9a: {  	s5 =	simm.s32 $_size__tile_overlayer_lowered;
	s6 =	simm.s32 $_tile_overlayer_lowered  }
0x9b: {  	s22 =	simm.s32 $0x1BFF;
	s21 =	sshll.u32 s6, $0x1;
	s3 =	sadd.s32 s4, s19  }
0x9c: {  	s7 =	simm.s32 $0x0;
	s20 =	sshll.u32 s5, $0x1;
	s5 =	sadd.s32 s21, s3  }
0x9d: {  	[timem:s7], [sflag:s22] =	dma.local [hbm:s5], s20  }
0x9e: {  	_ =	swait.ge [sflag:s22], s20  }
0x9f: {  	s4 =	ssub.s32 $0x0, s20;
	[sflag:s22] =	ssyncset.done $0x0  }
0xa0: {  	[sflag:s22] =	ssyncadd.s32 s4;
	_ =	sdelay $0x1  }
0xa1: {  	s23 =	simm.s32 $0x1B8B  }
0xa2: {  	_ =	swait.ge [sflag:s23], $0x1  }
0xa3: {  	[sflag:s23] =	ssyncset.done $0x0  }
0xa4: {  	s25 =	simm.s32 $0x1B8E;
	s24 =	sld [smem:$0x3FFE];
	[sflag:s23] =	ssyncadd.s32 $0xFFFFFFFF  }
0xa5: {  	s26 =	simm.s32 $execute0_lowered;
	[smem:$0x3FD2] =	sst s25  }
0xa6: {  	s5 =	sshll.u32 s26, $0x1;
	_ =	strace $0x80000046;
	[dreg:$0x1] =	wrdreg $0xFFFFFFFF  }
0xa7: {  	s28 =	simm.s32 $_size_execute0_lowered;
	s3 =	sadd.s32 s3, s5;
	[dreg:$0x0] =	wrdreg $0x0  }
0xa8: {  	s5 =	sshll.u32 s28, $0x1;
	[dreg:$0x2] =	wrdreg s3  }
0xa9: {  	[dreg:$0x3] =	wrdreg s5  }
0xaa: {  	[dreg:$0x4] =	wrdreg $0xC0  }
0xab: {  	_ =	task [dreg:s7], $0x5FFFF  }
0xac: {  	[dreg:$0x1] =	wrdreg $0xFFFFFFFF  }
0xad: {  	[dreg:$0x0] =	wrdreg $0x60  }
0xae: {  	[dreg:$0x2] =	wrdreg s2  }
0xaf: {  	[dreg:$0x3] =	wrdreg s24  }
0xb0: {  	[dreg:$0x4] =	wrdreg $0xC2000  }
0xb1: {  	[dreg:$0x5] =	wrdreg $0x9  }
0xb2: {  	_ =	task.clear_ibuf [dreg:s7], $0x6FFFF;
	_ =	strace $0x90000046  }
0xb3: {  	s29 =	simm.s32 $0x9;
	_ =	strace $0x80000048  }
0xb4: {  	_ =	swait.ge [sflag:s29], $0x1  }
0xb5: {  	[sflag:s29] =	ssyncadd.s32 $0xFFFFFFFF  }
0xb6: {  	_ =	strace $0x90000048  }
0xb7: {  	_ =	sfence  }
0xb8: {  	s30 =	sld [smem:$0x0];
	_ =	sdelay $0x2  }
0xb9: {  	s31 =	sshll.u32 s1, $0xD;
	s1 =	sshrl.u32 s1, $0x2  }
0xba: {  	s3 =	sand.u32 $0x4000, s31;
	s1 =	sadd.s32 s1, s30  }
0xbb: {  	s0 =	sor.u32 s3, s0;
	s1 =	sshll.u32 s1, $0x11  }
0xbc: {  	s0 =	sor.u32 s1, s0  }
0xbd: {  	s0 =	sadd.s32 $0x8F2B, s0  }
0xbe: {  	[sflag:s0] =	ssyncadd.remote.s32 $0x1  }
0xbf: {  	_ =	sfence.sel $0xFFFF  }
0xc0: {  	[dreg:$0x0] =	wrdreg $0xFFFFFFFF;
	(pc) =	sbr.abs _section_cstart, $3  }
0xc1: {  	[dreg:$0x1] =	wrdreg $0xFFFFFFFF  }
0xc2: {  	_ =	task.clear_ibuf [dreg:s7], $0x2FFFF;
	_ =	strace $0x9FFFFFFF  }
0xc3: {  	(tm) =	ssettm $0x7FFFFFFF  }
tec
execute0_lowered:
.L_overlay_start_1:
0x0: {  	(tag) =	ssettag $0x1  }
0x1: {  	s5 =	rddreg [dreg:$0x0]  }
0x2: {  	s3 =	rddreg [dreg:$0x1]  }
0x3: {  	s1 =	rddreg [dreg:$0x2]  }
0x4: {  	s0 =	rddreg [dreg:$0x3]  }
0x5: {  	s2 =	simm.s32 $0x0;
	s4 =	srdreg.scid;
	s17 =	stileid.u32  }
0x6: {  	v0 =	vimm.s32 $0xEFCDAB89;
	s11 =	simm.s32 $0x400;
	s12 =	simm.s32 $0x4000;
	s13 =	simm.s32 $0x8000  }
0x7: {  	v1 =	vimm.s32 $0x67452301;
	v2 =	vimm.s32 $0xDCFE98BA;
	v3 =	vimm.s32 $0x54761032;
	s14 =	simm.s32 $0x1;
	s15 =	simm.s32 $0x2;
	s16 =	simm.s32 $0x3  }
0x8: {  	v4 =	vimm.s32 $0xBA98FEDC;
	v5 =	vimm.s32 $0x32107654;
	s18 =	simm.s32 $0x4;
	s19 =	simm.s32 $0xC080;
	s20 =	simm.s32 $0xC180  }
0x9: {  	v6 =	vimm.s32 $0xFEDCBA98;
	v7 =	vimm.s32 $0x76543210;
	s21 =	simm.s32 $0x0;
	v0 =	vunpack.c.l.s4.s8 v0;
	[smem:$0x7FF] =	sst s2;
	s4 =	sand.u32 $0x1, s4  }
0xa: {  	v1 =	vunpack.c.l.s4.s8 v1;
	s7 =	sshll.u32 s17, $0xD;
	v2 =	vunpack.c.l.s4.s8 v2;
	s9 =	sshll.u32 s17, $0x5;
	v3 =	vunpack.c.l.s4.s8 v3;
	s30 =	sadd.s32 $0x4000, s5  }
0xb: {  	v4 =	vunpack.c.l.s4.s8 v4;
	v5 =	vunpack.c.l.s4.s8 v5;
	v6 =	vunpack.c.l.s4.s8 v6;
	s31 =	sshll.u32 s17, $0x4;
	p0 =	sne.s32 s17, $0x0;
	s17 =	simm.s32 $0xC000  }
0xc: {  	_ =	strace $0x80000047;
	s6 =	sshll.u32 s4, $0x2;
	s8 =	sshll.u32 s4, $0x11;
	v0 =	vunpack.c.0.s8.s32 v0;
	v1 =	vunpack.c.0.s8.s32 v1;
	v2 =	vunpack.c.0.s8.s32 v2  }
0xd: {  	s7 =	sand.u32 $0x18000, s7;
	s4 =	ssub.s32 $0x2, s4;
	s25 =	sand.u32 $0x60, s9;
	v3 =	vunpack.c.0.s8.s32 v3;
	v4 =	vunpack.c.0.s8.s32 v4;
	v5 =	vunpack.c.0.s8.s32 v5  }
.Ltmp0:
0xe: {  	s7 =	sor.u32 s8, s7;
	s28 =	sshrl.u32 s4, $0x1;
	v0 =	vcombine.low v1, v0;
	v1 =	vunpack.c.l.s4.s8 v7;
	(pc) =	sbr.rel .LBB2_1-.Ltmp0, $4  }
0xf: {  	s26 =	sadd.s32 s6, s3;
	s29 =	sor.u32 s25, s7;
	s10 =	ssub.s32 s4, s28;
	v2 =	vcombine.low v3, v2;
	v3 =	vcombine.low v5, v4;
	v4 =	vunpack.c.0.s8.s32 v6  }
0x10: {  	s7 =	sadd.s32 s31, s1;
	s8 =	sadd.s32 $0x200, s26;
	s3 =	sadd.s32 s5, s29;
	v5 =	vunpack.c.0.s8.s32 v1  }
0x11: {  	s4 =	sadd.s32 s29, s30;
	s6 =	sor.u32 $0x10, s29;
	s9 =	smax.u32 s10, $0x1;
	v1 =	vand.u32 $0xF, v2;
	v2 =	vand.u32 $0xF, v3;
	v3 =	vand.u32 $0xF, v4  }
0x12: {  	s10 =	simm.s32 $0x80;
	s5 =	sadd.s32 s5, s6;
	s6 =	sadd.s32 s6, s30;
	v0 =	vand.u32 $0xF, v0;
	v4 =	vlaneseq.u32;
	v3 =	vcombine.low v3, v5  }
.LBB2_11:
0x13: {  	s21 =	sadd.s32 $0x1, s21  }
0x14: {  	p1 =	sne.s32 s21, s9  }
.Ltmp1:
0x15: {  	_ = 	snop;
	(pc) =	sbr.rel @!p1 .LBB2_12-.Ltmp1, $1  }
0x16: {  	_ =	sdelay $0x3  }
.LBB2_1:
0x17: {  	[tilespmem:s2], [sflag:$0x1] =	stream.strided.gather [hbm4b:s3+s10], $0x4000, s11, s10, $0x38;
	[tilespmem:$0xC210] =	vst v63  }
0x18: {  	_ = 	snop  }
0x19: {  	[tilespmem:s12], [sflag:$0x2] =	stream.strided.gather [hbm4b:s4+s10], $0x4000, s11, s10, $0x38;
	[tilespmem:$0xC210] =	vst v63  }
0x1a: {  	_ = 	snop  }
0x1b: {  	[tilespmem:s13], [sflag:$0x3] =	stream.strided.gather [hbm4b:s5+s10], $0x4000, s11, s10, $0x38;
	[tilespmem:$0xC210] =	vst v63  }
0x1c: {  	_ =	swait.ge [sflag:s14], $0x4000  }
0x1d: {  	[sflag:s14] =	ssyncset.done $0x0  }
0x1e: {  	s22 =	simm.s32 $0x2000;
	[sflag:s14] =	ssyncadd.s32 $0xFFFFC000  }
0x1f: {  	v6 =	vld [tilespmem:s22+$0xFFFFE030]  }
0x20: {  	v5 =	vld [tilespmem:s22+$0xFFFFE000]  }
0x21: {  	v10 =	vld [tilespmem:s22+$0xFFFFF030]  }
0x22: {  	v7 =	vld [tilespmem:s22+$0xFFFFE010]  }
0x23: {  	v8 =	vld [tilespmem:s22+$0xFFFFE020]  }
0x24: {  	v12 =	vld [tilespmem:s22+$0xFFFFF020]  }
0x25: {  	v11 =	vimm.f32 $-Inf;
	v13 =	vld [tilespmem:s22+$0xFFFFF010]  }
0x26: {  	v14 =	vld [tilespmem:s22+$0xFFFFF000];
	vm0 =	vgt.f32 v5, v11  }
0x27: {  	v16 =	vld [tilespmem:s22+$0x1000];
	v9 =	vsel vm0, v5, v11  }
0x28: {  	v15 =	vld [tilespmem:s22+$0x0];
	vm1 =	vgt.f32 v7, v9  }
0x29: {  	v17 =	vld [tilespmem:s22+$0x10];
	v5 =	vimm.s32 $0x0;
	v7 =	vsel vm1, v7, v9  }
0x2a: {  	s23 =	simm.s32 $0x1;
	v18 =	vld [tilespmem:s22+$0x1010];
	v9 =	vsel vm0, s2, v5;
	vm0 =	vgt.f32 v8, v7  }
0x2b: {  	s24 =	simm.s32 $0x2;
	v19 =	vld [tilespmem:s22+$0x20];
	vm7 =	vgt.f32 v14, v11;
	v9 =	vsel vm1, s23, v9;
	v7 =	vsel vm0, v8, v7  }
0x2c: {  	s25 =	simm.s32 $0x3;
	v20 =	vld [tilespmem:s22+$0x1020];
	vm1 =	vgt.f32 v16, v11;
	v8 =	vsel vm0, s24, v9;
	vm0 =	vgt.f32 v6, v7  }
0x2d: {  	v22 =	vld [tilespmem:s22+$0x30];
	v21 =	vsel vm0, v6, v7;
	v9 =	vsel vm0, s25, v8;
	vm0 =	vgt.f32 v15, v11  }
0x2e: {  	s23 =	simm.s32 $0x2040;
	v7 =	vsel vm7, v14, v11;
	v14 =	vld [tilespmem:s22+$0x1030];
	v8 =	vsel vm0, v15, v11;
	v11 =	vsel vm1, v16, v11  }
0x2f: {  	vm8 =	vgt.f32 v13, v7;
	v16 =	vld [tilespmem:s23+$0xFFFFE000];
	vm2 =	vgt.f32 v17, v8;
	vm3 =	vgt.f32 v18, v11  }
0x30: {  	v23 =	vld [tilespmem:s23+$0xFFFFE010];
	v13 =	vsel vm8, v13, v7;
	v8 =	vsel vm2, v17, v8;
	v11 =	vsel vm3, v18, v11  }
0x31: {  	v6 =	vld [tilespmem:s23+$0xFFFFE030];
	vm9 =	vgt.f32 v12, v13;
	vm4 =	vgt.f32 v19, v8;
	vm5 =	vgt.f32 v20, v11  }
0x32: {  	v7 =	vld [tilespmem:s23+$0xFFFFF030];
	v12 =	vsel vm9, v12, v13;
	v13 =	vsel vm4, v19, v8;
	v18 =	vsel vm5, v20, v11  }
0x33: {  	v17 =	vld [tilespmem:s23+$0xFFFFE020];
	vm10 =	vgt.f32 v10, v12;
	vm6 =	vgt.f32 v22, v13;
	vm13 =	vgt.f32 v14, v18  }
0x34: {  	s26 =	simm.s32 $0x200;
	s24 =	simm.s32 $0x300;
	v8 =	vld [tilespmem:s23+$0xFFFFF020];
	v15 =	vsel vm10, v10, v12;
	vm11 =	vgt.f32 v16, v21;
	v11 =	vsel vm6, v22, v13  }
0x35: {  	s28 =	simm.s32 $0x201;
	s29 =	simm.s32 $0x301;
	v19 =	vld [tilespmem:s23+$0x1000];
	v12 =	vsel vm13, v14, v18;
	v13 =	vsel vm0, s26, v5;
	v14 =	vsel vm1, s24, v5  }
0x36: {  	s30 =	simm.s32 $0x202;
	s25 =	simm.s32 $0x302;
	v10 =	vld [tilespmem:s23+$0xFFFFF010];
	v20 =	vsel vm11, v16, v21;
	v13 =	vsel vm2, s28, v13;
	v14 =	vsel vm3, s29, v14  }
0x37: {  	s31 =	simm.s32 $0x203;
	s22 =	simm.s32 $0x4;
	v16 =	vld [tilespmem:s23+$0xFFFFF000];
	vm12 =	vgt.f32 v23, v20;
	s28 =	simm.s32 $0x303;
	v13 =	vsel vm4, s30, v13;
	v14 =	vsel vm5, s25, v14  }
0x38: {  	v18 =	vld [tilespmem:s23+$0x0];
	s26 =	simm.s32 $0x100;
	s24 =	simm.s32 $0x0;
	v20 =	vsel vm12, v23, v20;
	s25 =	simm.s32 $0x8;
	v13 =	vsel vm6, s31, v13;
	v14 =	vsel vm13, s28, v14  }
.LBB2_2:
0x39: {  	p1 =	slt.u32 s25, $0xFC;
	v9 =	vsel vm11, s22, v9;
	s28 =	sadd.s32 $0x1, s22;
	v21 =	vld [tilespmem:s23+$0x10];
	vm0 =	vgt.f32 v17, v20;
	v5 =	vsel vm7, s26, v5;
	s26 =	sadd.s32 $0x101, s24  }
0x3a: {  	v9 =	vsel vm12, s28, v9;
	v22 =	vld [tilespmem:s23+$0x1010];
	v17 =	vsel vm0, v17, v20;
	s28 =	sadd.s32 $0x2, s22;
	v5 =	vsel vm8, s26, v5;
	s26 =	sadd.s32 $0x102, s24  }
0x3b: {  	v9 =	vsel vm0, s28, v9;
	v20 =	vld [tilespmem:s23+$0x20];
	vm0 =	vgt.f32 v6, v17;
	s28 =	sadd.s32 $0x3, s22;
	v5 =	vsel vm9, s26, v5;
	s26 =	sadd.s32 $0x103, s24;
	s24 =	smov.u32 s22  }
0x3c: {  	s22 =	smov.u32 s25;
	v23 =	vld [tilespmem:s23+$0x1020];
	v24 =	vsel vm0, v6, v17;
	v9 =	vsel vm0, s28, v9;
	v5 =	vsel vm10, s26, v5  }
0x3d: {  	vm7 =	vgt.f32 v16, v15;
	vm1 =	vgt.f32 v18, v11;
	vm12 =	vgt.f32 v19, v12;
	v25 =	vld [tilespmem:s23+$0x30]  }
0x3e: {  	v15 =	vsel vm7, v16, v15;
	v11 =	vsel vm1, v18, v11;
	v12 =	vsel vm12, v19, v12;
	v16 =	vld [tilespmem:s23+$0x1030];
	s23 =	sadd.s32 $0x40, s23  }
0x3f: {  	vm8 =	vgt.f32 v10, v15;
	vm2 =	vgt.f32 v21, v11;
	v6 =	vld [tilespmem:s23+$0xFFFFE030];
	vm3 =	vgt.f32 v22, v12  }
0x40: {  	v10 =	vsel vm8, v10, v15;
	v11 =	vsel vm2, v21, v11;
	v18 =	vld [tilespmem:s23+$0xFFFFE000];
	v12 =	vsel vm3, v22, v12  }
0x41: {  	vm9 =	vgt.f32 v8, v10;
	vm0 =	vgt.f32 v20, v11;
	v19 =	vld [tilespmem:s23+$0xFFFFF030];
	vm4 =	vgt.f32 v23, v12  }
0x42: {  	v10 =	vsel vm9, v8, v10;
	v11 =	vsel vm0, v20, v11;
	v21 =	vld [tilespmem:s23+$0xFFFFE010];
	v12 =	vsel vm4, v23, v12  }
0x43: {  	vm10 =	vgt.f32 v7, v10;
	vm5 =	vgt.f32 v25, v11;
	v17 =	vld [tilespmem:s23+$0xFFFFE020];
	vm6 =	vgt.f32 v16, v12  }
.Ltmp2:
0x44: {  	s26 =	sadd.s32 $0x200, s24;
	s28 =	sadd.s32 $0x300, s24;
	v15 =	vsel vm10, v7, v10;
	v11 =	vsel vm5, v25, v11;
	v8 =	vld [tilespmem:s23+$0xFFFFF020];
	v12 =	vsel vm6, v16, v12;
	(pc) =	sbr.rel @p1 .LBB2_2-.Ltmp2, $4  }
0x45: {  	v22 =	vsel vm1, s26, v13;
	v13 =	vsel vm12, s28, v14;
	s26 =	sadd.s32 $0x201, s24;
	s28 =	sadd.s32 $0x301, s24;
	vm11 =	vgt.f32 v18, v24;
	v10 =	vld [tilespmem:s23+$0xFFFFF010]  }
0x46: {  	v20 =	vsel vm2, s26, v22;
	v13 =	vsel vm3, s28, v13;
	s26 =	sadd.s32 $0x202, s24;
	s28 =	sadd.s32 $0x302, s24;
	v14 =	vsel vm11, v18, v24;
	v16 =	vld [tilespmem:s23+$0xFFFFF000];
	v7 =	vmovc v19  }
0x47: {  	s29 =	sadd.s32 $0x303, s24;
	v22 =	vsel vm0, s26, v20;
	v23 =	vsel vm4, s28, v13;
	s28 =	sadd.s32 $0x203, s24;
	v18 =	vld [tilespmem:s23+$0x0];
	vm12 =	vgt.f32 v21, v14  }
0x48: {  	s25 =	sadd.s32 $0x4, s25;
	s26 =	sadd.s32 $0x100, s24;
	v13 =	vsel vm5, s28, v22;
	v19 =	vld [tilespmem:s23+$0x1000];
	v20 =	vsel vm12, v21, v14;
	v14 =	vsel vm6, s29, v23  }
0x49: {  	v21 =	vld [tilespmem:s23+$0x10]  }
0x4a: {  	v22 =	vld [tilespmem:s23+$0x1010]  }
0x4b: {  	vm0 =	vgt.f32 v17, v20;
	v23 =	vld [tilespmem:s23+$0x20];
	v9 =	vsel vm11, s22, v9;
	s25 =	sadd.s32 $0x1, s22  }
0x4c: {  	v5 =	vsel vm7, s26, v5;
	s29 =	sadd.s32 $0x101, s24;
	s30 =	sadd.s32 $0x2, s22;
	v24 =	vld [tilespmem:s23+$0x30];
	v17 =	vsel vm0, v17, v20;
	v9 =	vsel vm12, s25, v9  }
0x4d: {  	s31 =	sadd.s32 $0x102, s24;
	v20 =	vld [tilespmem:s23+$0x1020];
	v5 =	vsel vm8, s29, v5;
	vm1 =	vgt.f32 v6, v17;
	v9 =	vsel vm0, s30, v9  }
0x4e: {  	s28 =	sadd.s32 $0x3, s22;
	s29 =	sadd.s32 $0x103, s24;
	v25 =	vsel vm9, s31, v5;
	vm7 =	vgt.f32 v16, v15;
	v6 =	vsel vm1, v6, v17;
	v17 =	vld [tilespmem:s23+$0x1030];
	s23 =	simm.s32 $0x0  }
0x4f: {  	v5 =	vsel vm1, s28, v9;
	v25 =	vsel vm10, s29, v25;
	v9 =	vsel vm7, v16, v15;
	[tilespmem:s23], [sflag:$0x1] =	stream.strided.gather [hbm4b:s6+s10], $0x4000, s11, s10, $0x38;
	[tilespmem:$0xC210] =	vst v63  }
0x50: {  	vm14 =	vgt.f32 v18, v11;
	vm15 =	vgt.f32 v19, v12;
	vm8 =	vgt.f32 v10, v9;
	_ =	swait.ge [sflag:s15], $0x4000  }
0x51: {  	v11 =	vsel vm14, v18, v11;
	v12 =	vsel vm15, v19, v12;
	v9 =	vsel vm8, v10, v9;
	[sflag:s15] =	ssyncset.done $0x0  }
0x52: {  	s25 =	simm.s32 $0x6010;
	vm2 =	vgt.f32 v21, v11;
	vm3 =	vgt.f32 v22, v12;
	vm9 =	vgt.f32 v8, v9;
	[sflag:s15] =	ssyncadd.s32 $0xFFFFC000  }
0x53: {  	v10 =	vsel vm2, v21, v11;
	v11 =	vsel vm3, v22, v12;
	v8 =	vsel vm9, v8, v9;
	v15 =	vld [tilespmem:s25+$0xFFFFDFF0]  }
0x54: {  	s30 =	sadd.s32 $0x200, s22;
	vm4 =	vgt.f32 v23, v10;
	vm5 =	vgt.f32 v20, v11;
	v18 =	vld [tilespmem:s25+$0xFFFFE020];
	vm10 =	vgt.f32 v7, v8  }
0x55: {  	s28 =	sadd.s32 $0x201, s22;
	v19 =	vld [tilespmem:s25+$0xFFFFE000];
	v16 =	vsel vm5, v20, v11;
	v11 =	vsel vm10, v7, v8;
	v7 =	vsel vm14, s30, v13  }
0x56: {  	s31 =	sadd.s32 $0x300, s22;
	v9 =	vsel vm4, v23, v10;
	v12 =	vld [tilespmem:s25+$0xFFFFF020];
	v7 =	vsel vm2, s28, v7;
	s28 =	sand.u32 $0xFC0, s23  }
0x57: {  	v26 =	vimm.f32 $-Inf;
	s29 =	sadd.s32 $0x301, s22;
	vm6 =	vgt.f32 v24, v9;
	v8 =	vsel vm15, s31, v14;
	v27 =	vld [tilespmem:s28+$0x5000]  }
0x58: {  	s30 =	sadd.s32 $0x202, s22;
	vm11 =	vgt.f32 v17, v16;
	v10 =	vsel vm6, v24, v9;
	v8 =	vsel vm3, s29, v8;
	v28 =	vld [tilespmem:s28+$0x6000]  }
0x59: {  	v20 =	vld [tilespmem:s25+$0xFFFFE010];
	s31 =	sadd.s32 $0x302, s22;
	s29 =	sadd.s32 $0x203, s22;
	v9 =	vsel vm11, v17, v16;
	v7 =	vsel vm4, s30, v7;
	vm12 =	vgt.f32 v15, v26  }
0x5a: {  	v21 =	vld [tilespmem:s25+$0x0];
	s30 =	sadd.s32 $0x303, s22;
	v13 =	vsel vm12, v15, v26;
	v15 =	vsel vm5, s31, v8;
	v8 =	vsel vm6, s29, v7;
	s31 =	sadd.s32 $0x100, s22  }
0x5b: {  	v23 =	vld [tilespmem:s25+$0x1000];
	s29 =	sadd.s32 $0x101, s22;
	vm13 =	vgt.f32 v19, v13;
	v7 =	vsel vm11, s30, v15;
	v15 =	vsel vm7, s31, v25  }
0x5c: {  	v16 =	vimm.s32 $0x0;
	s30 =	simm.s32 $0x400;
	v13 =	vsel vm13, v19, v13;
	v19 =	vld [tilespmem:s28+$0x7000];
	v15 =	vsel vm8, s29, v15  }
0x5d: {  	v14 =	vld [tilespmem:s25+$0xFFFFF010];
	v22 =	vsel vm12, s30, v16;
	vm7 =	vgt.f32 v27, v26;
	vm8 =	vgt.f32 v28, v26  }
0x5e: {  	v17 =	vld [tilespmem:s25+$0xFFFFF000];
	s31 =	sadd.s32 $0x102, s22;
	s28 =	simm.s32 $0x401;
	vm14 =	vgt.f32 v20, v13;
	v29 =	vsel vm7, v27, v26;
	v27 =	vsel vm8, v28, v26  }
0x5f: {  	v24 =	vld [tilespmem:s25+$0x1010];
	s29 =	sadd.s32 $0x103, s22;
	s30 =	simm.s32 $0x402;
	v20 =	vsel vm14, v20, v13;
	v13 =	vsel vm9, s31, v15;
	v15 =	vsel vm13, s28, v22  }
0x60: {  	v22 =	vld [tilespmem:s25+$0x10];
	s31 =	simm.s32 $0x403;
	vm15 =	vgt.f32 v18, v20;
	v13 =	vsel vm10, s29, v13;
	v15 =	vsel vm14, s30, v15  }
0x61: {  	v25 =	vld [tilespmem:s25+$0x20];
	v20 =	vsel vm15, v18, v20;
	v15 =	vsel vm15, s31, v15;
	vm9 =	vgt.f32 v19, v26  }
0x62: {  	s24 =	simm.s32 $0x0;
	s22 =	simm.s32 $0xFFFFFFFC;
	v18 =	vimm.s32 $0x0;
	v28 =	vsel vm9, v19, v26;
	v26 =	vld [tilespmem:s25+$0x1020];
	s25 =	simm.s32 $0x6050;
	v19 =	vimm.s32 $0x0  }
.LBB2_4:
0x63: {  	v30 =	vld [tilespmem:s25+$0xFFFFE020];
	vm10 =	vgt.f32 v17, v29;
	vm1 =	vgt.f32 v21, v27;
	vm13 =	vgt.f32 v23, v28;
	s26 =	smov.u32 s24  }
0x64: {  	v31 =	vld [tilespmem:s25+$0xFFFFDFF0];
	v17 =	vsel vm10, v17, v29;
	v21 =	vsel vm1, v21, v27;
	v23 =	vsel vm13, v23, v28  }
0x65: {  	v27 =	vld [tilespmem:s25+$0xFFFFF020];
	vm11 =	vgt.f32 v14, v17;
	vm2 =	vgt.f32 v22, v21;
	vm3 =	vgt.f32 v24, v23  }
0x66: {  	v28 =	vld [tilespmem:s25+$0xFFFFE000];
	v17 =	vsel vm11, v14, v17;
	v21 =	vsel vm2, v22, v21;
	v22 =	vsel vm3, v24, v23  }
0x67: {  	v24 =	vld [tilespmem:s25+$0xFFFFE010];
	vm12 =	vgt.f32 v12, v17;
	vm14 =	vgt.f32 v25, v21;
	vm15 =	vgt.f32 v26, v22  }
0x68: {  	s28 =	sadd.s32 $0x604, s22;
	s29 =	sadd.s32 $0x704, s22;
	s23 =	sadd.s32 $0x40, s23;
	v14 =	vld [tilespmem:s25+$0xFFFFF010];
	v29 =	vsel vm12, v12, v17;
	v32 =	vsel vm14, v25, v21;
	v26 =	vsel vm15, v26, v22  }
0x69: {  	s30 =	sand.u32 $0xFC0, s23;
	v21 =	vsel vm8, s28, v16;
	v16 =	vsel vm9, s29, v19;
	s28 =	sadd.s32 $0x605, s22;
	s29 =	sadd.s32 $0x705, s22;
	vm0 =	vgt.f32 v31, v20;
	v17 =	vld [tilespmem:s25+$0xFFFFF000]  }
0x6a: {  	v16 =	vsel vm13, s29, v16;
	s29 =	sadd.s32 $0x706, s22;
	v19 =	vsel vm0, v31, v20;
	v31 =	vld [tilespmem:s30+$0x5000];
	v20 =	vsel vm1, s28, v21;
	s28 =	sadd.s32 $0x606, s22;
	v12 =	vmovc v27  }
0x6b: {  	s24 =	sadd.s32 $0x4, s24;
	v21 =	vsel vm3, s29, v16;
	s29 =	sadd.s32 $0x707, s22;
	v27 =	vld [tilespmem:s30+$0x6000];
	vm1 =	vgt.f32 v28, v19;
	v20 =	vsel vm2, s28, v20;
	s28 =	sadd.s32 $0x607, s22  }
0x6c: {  	s31 =	sadd.s32 $0x404, s26;
	p1 =	slt.u32 s24, $0xFC;
	v33 =	vld [tilespmem:s30+$0x7000];
	v22 =	vsel vm1, v28, v19;
	s30 =	sadd.s32 $0x504, s22;
	v16 =	vsel vm14, s28, v20;
	v19 =	vsel vm15, s29, v21  }
0x6d: {  	v15 =	vsel vm0, s31, v15;
	s28 =	sadd.s32 $0x405, s26;
	s29 =	sadd.s32 $0x505, s22;
	v21 =	vld [tilespmem:s25+$0x0];
	vm0 =	vgt.f32 v24, v22;
	v18 =	vsel vm7, s30, v18  }
.Ltmp3:
0x6e: {  	v15 =	vsel vm1, s28, v15;
	s28 =	sadd.s32 $0x406, s26;
	v23 =	vld [tilespmem:s25+$0x1000];
	v20 =	vsel vm0, v24, v22;
	v18 =	vsel vm10, s29, v18;
	s29 =	sadd.s32 $0x506, s22;
	(pc) =	sbr.rel @p1 .LBB2_4-.Ltmp3, $4  }
0x6f: {  	v15 =	vsel vm0, s28, v15;
	s28 =	sadd.s32 $0x407, s26;
	v22 =	vld [tilespmem:s25+$0x10];
	vm0 =	vgt.f32 v30, v20;
	v18 =	vsel vm11, s29, v18;
	s29 =	sadd.s32 $0x507, s22;
	s22 =	smov.u32 s26  }
0x70: {  	v24 =	vld [tilespmem:s25+$0x1010];
	v20 =	vsel vm0, v30, v20;
	v15 =	vsel vm0, s28, v15;
	v18 =	vsel vm12, s29, v18  }
0x71: {  	vm7 =	vgt.f32 v31, v29;
	vm8 =	vgt.f32 v27, v32;
	vm9 =	vgt.f32 v33, v26;
	v25 =	vld [tilespmem:s25+$0x20]  }
0x72: {  	v29 =	vsel vm7, v31, v29;
	v27 =	vsel vm8, v27, v32;
	v28 =	vsel vm9, v33, v26;
	v26 =	vld [tilespmem:s25+$0x1020];
	s25 =	sadd.s32 $0x40, s25  }
0x73: {  	vm0 =	vgt.f32 v11, v6  }
0x74: {  	vm1 =	vgt.f32 v17, v29;
	v6 =	vsel vm0, v11, v6;
	v11 =	vimm.s32 $0x0  }
0x75: {  	v30 =	vimm.s32 $0x0;
	v11 =	vsel vm1, $0xFFFFFFFF, v11  }
0x76: {  	v30 =	vsel vm0, $0xFFFFFFFF, v30;
	vm0 =	vgt.f32 v10, v6;
	[tilespmem:$0x1FFE0] =	vst v11;
	v11 =	vimm.s32 $0x0  }
0x77: {  	vm2 =	vgt.f32 v21, v27;
	v11 =	vsel vm0, $0xFFFFFFFF, v11  }
0x78: {  	v6 =	vsel vm0, v10, v6;
	v10 =	vsel vm2, v21, v27;
	[tilespmem:$0x1FFF0] =	vst v11;
	v11 =	vsel vm1, v17, v29  }
0x79: {  	vm13 =	vgt.f32 v9, v6;
	vm0 =	vgt.f32 v22, v10;
	vm15 =	vgt.f32 v14, v11  }
0x7a: {  	vm1 =	vgt.f32 v23, v28;
	v6 =	vsel vm13, v9, v6;
	v11 =	vsel vm15, v14, v11  }
0x7b: {  	v9 =	vsel vm0, v22, v10;
	vm14 =	vgt.f32 v20, v6;
	vm12 =	vgt.f32 v12, v11  }
0x7c: {  	v17 =	vsel vm1, v23, v28;
	v6 =	vsel vm14, v20, v6;
	v10 =	vsel vm12, v12, v11  }
0x7d: {  	vm11 =	vgt.f32 v25, v9;
	vm3 =	vgt.f32 v24, v17;
	vm10 =	vgt.f32 v10, v6  }
0x7e: {  	v9 =	vsel vm11, v25, v9;
	v11 =	vsel vm3, v24, v17;
	v6 =	vsel vm10, v10, v6  }
0x7f: {  	vm5 =	vgt.f32 v26, v11;
	vm4 =	vgt.f32 v9, v6  }
0x80: {  	v10 =	vsel vm5, v26, v11;
	v6 =	vsel vm4, v9, v6  }
0x81: {  	s23 =	sadd.s32 $0x604, s22;
	[tilespmem:$0x1FFD0] =	vst v30;
	vm6 =	vgt.f32 v10, v6  }
0x82: {  	v6 =	vsel vm6, v10, v6;
	v10 =	vsel vm8, s23, v16;
	v16 =	vld [tilespmem:$0x1FFD0];
	_ =	sdelay $0x1  }
0x83: {  	s24 =	sadd.s32 $0x704, s22  }
0x84: {  	v11 =	vsel vm9, s24, v19;
	s24 =	sadd.s32 $0x605, s22  }
0x85: {  	s26 =	sadd.s32 $0x606, s22;
	v10 =	vsel vm2, s24, v10  }
0x86: {  	v10 =	vsel vm0, s26, v10;
	vm0 =	vnez.u8 v16  }
0x87: {  	v5 =	vsel vm0, v13, v5;
	v13 =	vld [tilespmem:$0x1FFE0];
	_ =	sdelay $0x3  }
0x88: {  	s28 =	sadd.s32 $0x504, s22  }
0x89: {  	s29 =	sadd.s32 $0x505, s22;
	v14 =	vsel vm7, s28, v18;
	vm0 =	vnez.u8 v13  }
0x8a: {  	v13 =	vsel vm0, s29, v14;
	v14 =	vld [tilespmem:$0x1FFF0]  }
0x8b: {  	v9 =	vperm.xlane v6, v0;
	_ =	sdelay $0x1  }
0x8c: {  	v9 =	vmax.f32 v6, v9  }
0x8d: {  	v12 =	vperm.xlane v9, v1  }
0x8e: {  	s25 =	sadd.s32 $0x705, s22;
	vm0 =	vnez.u8 v14  }
0x8f: {  	s30 =	sadd.s32 $0x506, s22;
	v11 =	vsel vm1, s25, v11;
	v5 =	vsel vm0, v8, v5;
	v8 =	vmax.f32 v9, v12  }
0x90: {  	s31 =	sadd.s32 $0x706, s22;
	s25 =	sadd.s32 $0x507, s22;
	v9 =	vsel vm15, s30, v13;
	v5 =	vsel vm13, v7, v5;
	v7 =	vperm.xlane v8, v2  }
0x91: {  	v11 =	vsel vm3, s31, v11;
	s26 =	sadd.s32 $0x607, s22;
	v9 =	vsel vm12, s25, v9;
	v5 =	vsel vm14, v15, v5  }
0x92: {  	s28 =	sadd.s32 $0x707, s22;
	v10 =	vsel vm11, s26, v10;
	v5 =	vsel vm10, v9, v5;
	v7 =	vmax.f32 v8, v7  }
0x93: {  	v8 =	vsel vm5, s28, v11;
	v5 =	vsel vm4, v10, v5;
	v9 =	vperm.xlane v7, v3  }
0x94: {  	_ =	swait.ge [sflag:s16], $0x4000;
	v5 =	vsel vm6, v8, v5  }
0x95: {  	[sflag:s16] =	ssyncset.done $0x0;
	v7 =	vmax.f32 v7, v9;
	v5 =	vshll.u32 v5, $0x4  }
0x96: {  	s29 =	simm.s32 $0xA000;
	[sflag:s16] =	ssyncadd.s32 $0xFFFFC000;
	v5 =	vor.u32 v4, v5;
	vm0 =	veq.f32 v6, v7  }
0x97: {  	v16 =	vld [tilespmem:s29+$0xFFFFF000];
	v5 =	vnsel vm0, $0x7FFFFFFF, v5  }
0x98: {  	v18 =	vld [tilespmem:s29+$0x1000];
	v6 =	vperm.xlane v5, v0  }
0x99: {  	v7 =	vld [tilespmem:s29+$0xFFFFE000]  }
0x9a: {  	v19 =	vld [tilespmem:s29+$0x10];
	vm0 =	vlt.s32 v5, v6  }
0x9b: {  	v9 =	vld [tilespmem:s29+$0xFFFFE010];
	v5 =	vsel vm0, v5, v6  }
0x9c: {  	v20 =	vld [tilespmem:s29+$0x1010];
	v10 =	vperm.xlane v5, v1  }
0x9d: {  	v13 =	vimm.f32 $-Inf;
	v6 =	vld [tilespmem:s29+$0xFFFFE020]  }
0x9e: {  	v21 =	vld [tilespmem:s29+$0x1020];
	vm0 =	vgt.f32 v7, v13;
	vm1 =	vlt.s32 v5, v10  }
0x9f: {  	v8 =	vld [tilespmem:s29+$0xFFFFE030];
	v11 =	vsel vm0, v7, v13;
	v5 =	vsel vm1, v5, v10  }
0xa0: {  	s23 =	simm.s32 $0x0;
	v7 =	vimm.s32 $0x0;
	v10 =	vld [tilespmem:s29+$0x0];
	vm1 =	vgt.f32 v9, v11;
	v17 =	vperm.xlane v5, v2  }
0xa1: {  	v23 =	vld [tilespmem:s29+$0x30];
	s30 =	simm.s32 $0x1;
	vm7 =	vgt.f32 v16, v13;
	v9 =	vsel vm1, v9, v11;
	v11 =	vsel vm0, s23, v7  }
0xa2: {  	v15 =	vld [tilespmem:s29+$0xFFFFF010];
	vm0 =	vgt.f32 v6, v9;
	v11 =	vsel vm1, s30, v11;
	vm2 =	vlt.s32 v5, v17  }
0xa3: {  	s31 =	simm.s32 $0x2;
	v14 =	vld [tilespmem:s29+$0xFFFFF020];
	vm1 =	vgt.f32 v18, v13;
	v9 =	vsel vm0, v6, v9;
	v5 =	vsel vm2, v5, v17  }
0xa4: {  	s25 =	simm.s32 $0x3;
	v11 =	vsel vm0, s31, v11;
	v17 =	vld [tilespmem:s29+$0x20];
	vm0 =	vgt.f32 v8, v9;
	v6 =	vperm.xlane v5, v3  }
0xa5: {  	v12 =	vld [tilespmem:s29+$0xFFFFF030];
	v22 =	vsel vm0, v8, v9;
	v11 =	vsel vm0, s25, v11;
	vm0 =	vgt.f32 v10, v13  }
0xa6: {  	s24 =	simm.s32 $0xA040;
	v9 =	vsel vm7, v16, v13;
	v16 =	vld [tilespmem:s29+$0x1030];
	v10 =	vsel vm0, v10, v13;
	v13 =	vsel vm1, v18, v13  }
0xa7: {  	vm8 =	vgt.f32 v15, v9;
	v18 =	vld [tilespmem:s24+$0xFFFFE000];
	vm2 =	vgt.f32 v19, v10;
	vm3 =	vgt.f32 v20, v13  }
0xa8: {  	v63 =	vld [tilespmem:s24+$0xFFFFE010];
	v15 =	vsel vm8, v15, v9;
	v10 =	vsel vm2, v19, v10;
	v13 =	vsel vm3, v20, v13  }
0xa9: {  	v8 =	vld [tilespmem:s24+$0xFFFFE030];
	vm9 =	vgt.f32 v14, v15;
	vm4 =	vgt.f32 v17, v10;
	vm5 =	vgt.f32 v21, v13  }
0xaa: {  	v9 =	vld [tilespmem:s24+$0xFFFFF030];
	v14 =	vsel vm9, v14, v15;
	v15 =	vsel vm4, v17, v10;
	v20 =	vsel vm5, v21, v13  }
0xab: {  	v19 =	vld [tilespmem:s24+$0xFFFFE020];
	vm10 =	vgt.f32 v12, v14;
	vm6 =	vgt.f32 v23, v15;
	vm13 =	vgt.f32 v16, v20  }
0xac: {  	s26 =	simm.s32 $0x200;
	s25 =	simm.s32 $0x300;
	v10 =	vld [tilespmem:s24+$0xFFFFF020];
	v17 =	vsel vm10, v12, v14;
	vm11 =	vgt.f32 v18, v22;
	v13 =	vsel vm6, v23, v15  }
0xad: {  	s28 =	simm.s32 $0x201;
	s29 =	simm.s32 $0x301;
	v21 =	vld [tilespmem:s24+$0x1000];
	v14 =	vsel vm13, v16, v20;
	v15 =	vsel vm0, s26, v7;
	v16 =	vsel vm1, s25, v7  }
0xae: {  	s30 =	simm.s32 $0x202;
	s31 =	simm.s32 $0x302;
	v12 =	vld [tilespmem:s24+$0xFFFFF010];
	v22 =	vsel vm11, v18, v22;
	v15 =	vsel vm2, s28, v15;
	v16 =	vsel vm3, s29, v16  }
0xaf: {  	v18 =	vld [tilespmem:s24+$0xFFFFF000];
	vm12 =	vgt.f32 v63, v22;
	s28 =	simm.s32 $0x203;
	s29 =	simm.s32 $0x303;
	v15 =	vsel vm4, s30, v15;
	v16 =	vsel vm5, s31, v16  }
0xb0: {  	s22 =	simm.s32 $0x4;
	v20 =	vld [tilespmem:s24+$0x0];
	s25 =	simm.s32 $0x8;
	s26 =	simm.s32 $0x100;
	v22 =	vsel vm12, v63, v22;
	v15 =	vsel vm6, s28, v15;
	v16 =	vsel vm13, s29, v16  }
.LBB2_6:
0xb1: {  	p1 =	slt.u32 s25, $0xFC;
	v11 =	vsel vm11, s22, v11;
	s28 =	sadd.s32 $0x1, s22;
	v23 =	vld [tilespmem:s24+$0x10];
	vm0 =	vgt.f32 v19, v22;
	v7 =	vsel vm7, s26, v7;
	s26 =	sadd.s32 $0x101, s23  }
0xb2: {  	v11 =	vsel vm12, s28, v11;
	v24 =	vld [tilespmem:s24+$0x1010];
	v19 =	vsel vm0, v19, v22;
	s28 =	sadd.s32 $0x2, s22;
	v7 =	vsel vm8, s26, v7;
	s26 =	sadd.s32 $0x102, s23  }
0xb3: {  	v11 =	vsel vm0, s28, v11;
	v22 =	vld [tilespmem:s24+$0x20];
	vm0 =	vgt.f32 v8, v19;
	s28 =	sadd.s32 $0x3, s22;
	v7 =	vsel vm9, s26, v7;
	s26 =	sadd.s32 $0x103, s23;
	s23 =	smov.u32 s22  }
0xb4: {  	s22 =	smov.u32 s25;
	v25 =	vld [tilespmem:s24+$0x1020];
	v26 =	vsel vm0, v8, v19;
	v11 =	vsel vm0, s28, v11;
	v7 =	vsel vm10, s26, v7  }
0xb5: {  	vm7 =	vgt.f32 v18, v17;
	vm1 =	vgt.f32 v20, v13;
	vm12 =	vgt.f32 v21, v14;
	v27 =	vld [tilespmem:s24+$0x30]  }
0xb6: {  	v17 =	vsel vm7, v18, v17;
	v13 =	vsel vm1, v20, v13;
	v14 =	vsel vm12, v21, v14;
	v18 =	vld [tilespmem:s24+$0x1030];
	s24 =	sadd.s32 $0x40, s24  }
0xb7: {  	vm8 =	vgt.f32 v12, v17;
	vm2 =	vgt.f32 v23, v13;
	v8 =	vld [tilespmem:s24+$0xFFFFE030];
	vm3 =	vgt.f32 v24, v14  }
0xb8: {  	v12 =	vsel vm8, v12, v17;
	v13 =	vsel vm2, v23, v13;
	v20 =	vld [tilespmem:s24+$0xFFFFE000];
	v14 =	vsel vm3, v24, v14  }
0xb9: {  	vm9 =	vgt.f32 v10, v12;
	vm0 =	vgt.f32 v22, v13;
	v21 =	vld [tilespmem:s24+$0xFFFFF030];
	vm4 =	vgt.f32 v25, v14  }
0xba: {  	v12 =	vsel vm9, v10, v12;
	v13 =	vsel vm0, v22, v13;
	v23 =	vld [tilespmem:s24+$0xFFFFE010];
	v14 =	vsel vm4, v25, v14  }
0xbb: {  	vm10 =	vgt.f32 v9, v12;
	vm5 =	vgt.f32 v27, v13;
	v19 =	vld [tilespmem:s24+$0xFFFFE020];
	vm6 =	vgt.f32 v18, v14  }
.Ltmp4:
0xbc: {  	s26 =	sadd.s32 $0x200, s23;
	s28 =	sadd.s32 $0x300, s23;
	v17 =	vsel vm10, v9, v12;
	v13 =	vsel vm5, v27, v13;
	v10 =	vld [tilespmem:s24+$0xFFFFF020];
	v14 =	vsel vm6, v18, v14;
	(pc) =	sbr.rel @p1 .LBB2_6-.Ltmp4, $4  }
0xbd: {  	v24 =	vsel vm1, s26, v15;
	v15 =	vsel vm12, s28, v16;
	s26 =	sadd.s32 $0x201, s23;
	s28 =	sadd.s32 $0x301, s23;
	vm11 =	vgt.f32 v20, v26;
	v12 =	vld [tilespmem:s24+$0xFFFFF010]  }
0xbe: {  	v22 =	vsel vm2, s26, v24;
	v15 =	vsel vm3, s28, v15;
	s26 =	sadd.s32 $0x202, s23;
	s28 =	sadd.s32 $0x302, s23;
	v16 =	vsel vm11, v20, v26;
	v18 =	vld [tilespmem:s24+$0xFFFFF000];
	v9 =	vmovc v21  }
0xbf: {  	s29 =	sadd.s32 $0x303, s23;
	v24 =	vsel vm0, s26, v22;
	v25 =	vsel vm4, s28, v15;
	s28 =	sadd.s32 $0x203, s23;
	v20 =	vld [tilespmem:s24+$0x0];
	vm12 =	vgt.f32 v23, v16  }
0xc0: {  	s25 =	sadd.s32 $0x4, s25;
	s26 =	sadd.s32 $0x100, s23;
	v15 =	vsel vm5, s28, v24;
	v21 =	vld [tilespmem:s24+$0x1000];
	v22 =	vsel vm12, v23, v16;
	v16 =	vsel vm6, s29, v25  }
0xc1: {  	v23 =	vld [tilespmem:s24+$0x10];
	vm0 =	vgt.f32 v19, v22  }
0xc2: {  	v24 =	vld [tilespmem:s24+$0x1010];
	v11 =	vsel vm11, s22, v11;
	s25 =	sadd.s32 $0x1, s22;
	v7 =	vsel vm7, s26, v7;
	s31 =	sadd.s32 $0x101, s23;
	v28 =	vimm.f32 $-Inf  }
0xc3: {  	s28 =	sadd.s32 $0x2, s22;
	s29 =	sadd.s32 $0x102, s23;
	v25 =	vld [tilespmem:s24+$0x1020];
	v19 =	vsel vm0, v19, v22;
	v11 =	vsel vm12, s25, v11;
	v7 =	vsel vm8, s31, v7  }
0xc4: {  	s30 =	sadd.s32 $0x3, s22;
	v22 =	vld [tilespmem:s24+$0x20];
	vm1 =	vgt.f32 v8, v19;
	v11 =	vsel vm0, s28, v11;
	v26 =	vsel vm9, s29, v7  }
0xc5: {  	s31 =	sadd.s32 $0x103, s23;
	vm7 =	vgt.f32 v18, v17;
	v8 =	vsel vm1, v8, v19;
	v19 =	vld [tilespmem:s24+$0x30];
	v7 =	vsel vm1, s30, v11  }
0xc6: {  	v26 =	vsel vm10, s31, v26;
	v11 =	vld [tilespmem:s24+$0x1030];
	vm14 =	vgt.f32 v20, v13;
	v17 =	vsel vm7, v18, v17;
	_ =	swait.ge [sflag:s14], $0x4000  }
0xc7: {  	vm15 =	vgt.f32 v21, v14;
	v13 =	vsel vm14, v20, v13;
	vm8 =	vgt.f32 v12, v17;
	[sflag:s14] =	ssyncset.done $0x0  }
0xc8: {  	s25 =	simm.s32 $0x2010;
	v14 =	vsel vm15, v21, v14;
	vm2 =	vgt.f32 v23, v13;
	v12 =	vsel vm8, v12, v17;
	[sflag:s14] =	ssyncadd.s32 $0xFFFFC000  }
0xc9: {  	vm3 =	vgt.f32 v24, v14;
	v13 =	vsel vm2, v23, v13;
	vm9 =	vgt.f32 v10, v12;
	v17 =	vld [tilespmem:s25+$0xFFFFDFF0]  }
0xca: {  	v20 =	vld [tilespmem:s25+$0xFFFFE020];
	v14 =	vsel vm3, v24, v14;
	vm4 =	vgt.f32 v22, v13;
	v10 =	vsel vm9, v10, v12  }
0xcb: {  	v21 =	vld [tilespmem:s25+$0xFFFFE000];
	vm5 =	vgt.f32 v25, v14;
	v12 =	vsel vm4, v22, v13;
	vm10 =	vgt.f32 v9, v10  }
0xcc: {  	s26 =	sadd.s32 $0x300, s22;
	s24 =	sadd.s32 $0x200, s22;
	v23 =	vld [tilespmem:s25+$0x0];
	v18 =	vsel vm5, v25, v14;
	vm6 =	vgt.f32 v19, v12;
	v13 =	vsel vm10, v9, v10  }
0xcd: {  	s23 =	simm.s32 $0x0;
	s28 =	sadd.s32 $0x201, s22;
	v22 =	vld [tilespmem:s25+$0xFFFFE010];
	v9 =	vsel vm14, s24, v15;
	v10 =	vsel vm15, s26, v16;
	vm11 =	vgt.f32 v11, v18  }
0xce: {  	s29 =	sadd.s32 $0x301, s22;
	v27 =	vld [tilespmem:s25+$0x20];
	v12 =	vsel vm6, v19, v12;
	v9 =	vsel vm2, s28, v9;
	s28 =	sand.u32 $0xFC0, s23;
	vm12 =	vgt.f32 v17, v28  }
0xcf: {  	s30 =	sadd.s32 $0x202, s22;
	v10 =	vsel vm3, s29, v10;
	v11 =	vsel vm11, v11, v18;
	v29 =	vld [tilespmem:s28+$0x1000];
	v15 =	vsel vm12, v17, v28  }
0xd0: {  	s31 =	sadd.s32 $0x302, s22;
	s29 =	sadd.s32 $0x203, s22;
	v9 =	vsel vm4, s30, v9;
	v30 =	vld [tilespmem:s28+$0x2000];
	v18 =	vimm.s32 $0x0;
	vm13 =	vgt.f32 v21, v15  }
0xd1: {  	v16 =	vld [tilespmem:s25+$0xFFFFF010];
	s30 =	sadd.s32 $0x303, s22;
	v17 =	vsel vm5, s31, v10;
	v10 =	vsel vm6, s29, v9;
	s31 =	sadd.s32 $0x100, s22;
	v15 =	vsel vm13, v21, v15  }
0xd2: {  	s29 =	sadd.s32 $0x101, s22;
	v9 =	vsel vm11, s30, v17;
	v17 =	vsel vm7, s31, v26;
	s30 =	simm.s32 $0x400;
	v21 =	vld [tilespmem:s28+$0x3000];
	vm14 =	vgt.f32 v22, v15  }
0xd3: {  	v25 =	vld [tilespmem:s25+$0x1000];
	s31 =	sadd.s32 $0x102, s22;
	v17 =	vsel vm8, s29, v17;
	v24 =	vsel vm12, s30, v18;
	s28 =	simm.s32 $0x401;
	v22 =	vsel vm14, v22, v15  }
0xd4: {  	v19 =	vld [tilespmem:s25+$0xFFFFF000];
	s29 =	sadd.s32 $0x103, s22;
	v15 =	vsel vm9, s31, v17;
	v17 =	vsel vm13, s28, v24;
	vm7 =	vgt.f32 v29, v28  }
0xd5: {  	v26 =	vld [tilespmem:s25+$0x1010];
	s30 =	simm.s32 $0x402;
	vm8 =	vgt.f32 v30, v28;
	vm15 =	vgt.f32 v20, v22;
	v15 =	vsel vm10, s29, v15  }
0xd6: {  	v24 =	vld [tilespmem:s25+$0x10];
	s31 =	simm.s32 $0x403;
	v17 =	vsel vm14, s30, v17;
	v31 =	vsel vm7, v29, v28;
	v29 =	vsel vm8, v30, v28  }
0xd7: {  	v14 =	vld [tilespmem:s25+$0xFFFFF020];
	v22 =	vsel vm15, v20, v22;
	v17 =	vsel vm15, s31, v17;
	vm9 =	vgt.f32 v21, v28  }
0xd8: {  	s24 =	simm.s32 $0x0;
	s22 =	simm.s32 $0xFFFFFFFC;
	v20 =	vimm.s32 $0x0;
	v30 =	vsel vm9, v21, v28;
	v28 =	vld [tilespmem:s25+$0x1020];
	s25 =	simm.s32 $0x2050;
	v21 =	vimm.s32 $0x0  }
.LBB2_8:
0xd9: {  	v32 =	vld [tilespmem:s25+$0xFFFFE020];
	vm10 =	vgt.f32 v19, v31;
	vm1 =	vgt.f32 v23, v29;
	vm2 =	vgt.f32 v25, v30;
	s26 =	smov.u32 s24  }
0xda: {  	v33 =	vld [tilespmem:s25+$0xFFFFDFF0];
	v19 =	vsel vm10, v19, v31;
	v23 =	vsel vm1, v23, v29;
	v25 =	vsel vm2, v25, v30  }
0xdb: {  	v29 =	vld [tilespmem:s25+$0xFFFFF020];
	vm11 =	vgt.f32 v16, v19;
	vm3 =	vgt.f32 v24, v23;
	vm4 =	vgt.f32 v26, v25  }
0xdc: {  	v30 =	vld [tilespmem:s25+$0xFFFFE000];
	v19 =	vsel vm11, v16, v19;
	v23 =	vsel vm3, v24, v23;
	v24 =	vsel vm4, v26, v25  }
0xdd: {  	v26 =	vld [tilespmem:s25+$0xFFFFE010];
	vm12 =	vgt.f32 v14, v19;
	vm13 =	vgt.f32 v27, v23;
	vm14 =	vgt.f32 v28, v24  }
0xde: {  	s28 =	sadd.s32 $0x604, s22;
	s29 =	sadd.s32 $0x704, s22;
	s23 =	sadd.s32 $0x40, s23;
	v16 =	vld [tilespmem:s25+$0xFFFFF010];
	v31 =	vsel vm12, v14, v19;
	v34 =	vsel vm13, v27, v23;
	v28 =	vsel vm14, v28, v24  }
0xdf: {  	s30 =	sand.u32 $0xFC0, s23;
	v23 =	vsel vm8, s28, v18;
	v18 =	vsel vm9, s29, v21;
	s28 =	sadd.s32 $0x605, s22;
	s29 =	sadd.s32 $0x705, s22;
	vm0 =	vgt.f32 v33, v22;
	v19 =	vld [tilespmem:s25+$0xFFFFF000]  }
0xe0: {  	v18 =	vsel vm2, s29, v18;
	s29 =	sadd.s32 $0x706, s22;
	v21 =	vsel vm0, v33, v22;
	v33 =	vld [tilespmem:s30+$0x1000];
	v22 =	vsel vm1, s28, v23;
	s28 =	sadd.s32 $0x606, s22;
	v14 =	vmovc v29  }
0xe1: {  	s24 =	sadd.s32 $0x4, s24;
	v23 =	vsel vm4, s29, v18;
	s29 =	sadd.s32 $0x707, s22;
	v29 =	vld [tilespmem:s30+$0x2000];
	vm1 =	vgt.f32 v30, v21;
	v22 =	vsel vm3, s28, v22;
	s28 =	sadd.s32 $0x607, s22  }
0xe2: {  	s31 =	sadd.s32 $0x404, s26;
	p1 =	slt.u32 s24, $0xFC;
	v35 =	vld [tilespmem:s30+$0x3000];
	v24 =	vsel vm1, v30, v21;
	s30 =	sadd.s32 $0x504, s22;
	v18 =	vsel vm13, s28, v22;
	v21 =	vsel vm14, s29, v23  }
0xe3: {  	v17 =	vsel vm0, s31, v17;
	s28 =	sadd.s32 $0x405, s26;
	s29 =	sadd.s32 $0x505, s22;
	v23 =	vld [tilespmem:s25+$0x0];
	vm0 =	vgt.f32 v26, v24;
	v20 =	vsel vm7, s30, v20  }
.Ltmp5:
0xe4: {  	v17 =	vsel vm1, s28, v17;
	s28 =	sadd.s32 $0x406, s26;
	v25 =	vld [tilespmem:s25+$0x1000];
	v22 =	vsel vm0, v26, v24;
	v20 =	vsel vm10, s29, v20;
	s29 =	sadd.s32 $0x506, s22;
	(pc) =	sbr.rel @p1 .LBB2_8-.Ltmp5, $4  }
0xe5: {  	v17 =	vsel vm0, s28, v17;
	s28 =	sadd.s32 $0x407, s26;
	v24 =	vld [tilespmem:s25+$0x10];
	vm0 =	vgt.f32 v32, v22;
	v20 =	vsel vm11, s29, v20;
	s29 =	sadd.s32 $0x507, s22;
	s22 =	smov.u32 s26  }
0xe6: {  	v26 =	vld [tilespmem:s25+$0x1010];
	v22 =	vsel vm0, v32, v22;
	v17 =	vsel vm0, s28, v17;
	v20 =	vsel vm12, s29, v20  }
0xe7: {  	vm7 =	vgt.f32 v33, v31;
	vm8 =	vgt.f32 v29, v34;
	vm9 =	vgt.f32 v35, v28;
	v27 =	vld [tilespmem:s25+$0x20]  }
0xe8: {  	v31 =	vsel vm7, v33, v31;
	v29 =	vsel vm8, v29, v34;
	v30 =	vsel vm9, v35, v28;
	v28 =	vld [tilespmem:s25+$0x1020];
	s25 =	sadd.s32 $0x40, s25  }
0xe9: {  	vm0 =	vgt.f32 v13, v8;
	v32 =	vimm.s32 $0x0  }
0xea: {  	vm1 =	vgt.f32 v19, v31;
	v41 =	vimm.s32 $0x0;
	vm2 =	vgt.f32 v23, v29  }
0xeb: {  	v42 =	vimm.s32 $0x0;
	v32 =	vsel vm0, $0xFFFFFFFF, v32;
	v8 =	vsel vm0, v13, v8  }
0xec: {  	v13 =	vsel vm1, $0xFFFFFFFF, v41;
	v43 =	vsel vm1, v19, v31;
	vm0 =	vgt.f32 v12, v8  }
0xed: {  	vm1 =	vgt.f32 v25, v30;
	v44 =	vsel vm2, v23, v29;
	v8 =	vsel vm0, v12, v8  }
0xee: {  	[tilespmem:$0x1FFB0] =	vst v13;
	vm12 =	vgt.f32 v16, v43;
	v13 =	vsel vm0, $0xFFFFFFFF, v42;
	vm13 =	vgt.f32 v11, v8  }
0xef: {  	v45 =	vsel vm1, v25, v30;
	[tilespmem:$0x1FFC0] =	vst v13;
	v13 =	vsel vm12, v16, v43;
	v8 =	vsel vm13, v11, v8  }
0xf0: {  	vm0 =	vgt.f32 v24, v44;
	vm15 =	vgt.f32 v14, v13;
	vm14 =	vgt.f32 v22, v8  }
0xf1: {  	v46 =	vsel vm0, v24, v44;
	v47 =	vsel vm15, v14, v13;
	v8 =	vsel vm14, v22, v8  }
0xf2: {  	vm3 =	vgt.f32 v26, v45;
	vm11 =	vgt.f32 v27, v46;
	vm10 =	vgt.f32 v47, v8  }
0xf3: {  	v48 =	vsel vm3, v26, v45;
	v11 =	vsel vm11, v27, v46;
	v8 =	vsel vm10, v47, v8  }
0xf4: {  	[tilespmem:$0x1FFA0] =	vst v32;
	vm5 =	vgt.f32 v28, v48;
	vm4 =	vgt.f32 v11, v8  }
0xf5: {  	v55 =	vld [tilespmem:$0x1FFA0];
	v49 =	vsel vm5, v28, v48;
	v8 =	vsel vm4, v11, v8  }
0xf6: {  	v56 =	vld [tilespmem:$0x1FFB0];
	vm6 =	vgt.f32 v49, v8  }
0xf7: {  	s23 =	sadd.s32 $0x604, s22;
	v57 =	vld [tilespmem:$0x1FFC0];
	v8 =	vsel vm6, v49, v8  }
0xf8: {  	s24 =	sadd.s32 $0x704, s22;
	s28 =	sadd.s32 $0x605, s22;
	v51 =	vsel vm8, s23, v18;
	v50 =	vperm.xlane v8, v0  }
0xf9: {  	s30 =	sadd.s32 $0x606, s22;
	s31 =	sadd.s32 $0x504, s22;
	v52 =	vsel vm9, s24, v21;
	v12 =	vsel vm2, s28, v51  }
0xfa: {  	s29 =	sadd.s32 $0x705, s22;
	v54 =	vsel vm7, s31, v20;
	v12 =	vsel vm0, s30, v12;
	v11 =	vmax.f32 v8, v50  }
0xfb: {  	v13 =	vsel vm1, s29, v52;
	vm7 =	vnez.u8 v55;
	v53 =	vperm.xlane v11, v1  }
0xfc: {  	s25 =	sadd.s32 $0x505, s22;
	vm8 =	vnez.u8 v56;
	v7 =	vsel vm7, v15, v7;
	vm9 =	vnez.u8 v57  }
0xfd: {  	s26 =	sadd.s32 $0x506, s22;
	v15 =	vsel vm8, s25, v54;
	v7 =	vsel vm9, v10, v7;
	v58 =	vmax.f32 v11, v53  }
0xfe: {  	s30 =	sadd.s32 $0x607, s22;
	s29 =	sadd.s32 $0x507, s22;
	v59 =	vsel vm12, s26, v15;
	v7 =	vsel vm13, v9, v7;
	v60 =	vperm.xlane v58, v2  }
0xff: {  	s28 =	sadd.s32 $0x706, s22;
	v12 =	vsel vm11, s30, v12;
	v7 =	vsel vm14, v17, v7;
	v11 =	vsel vm15, s29, v59  }
0x100: {  	s31 =	sadd.s32 $0x707, s22;
	v13 =	vsel vm3, s28, v13;
	v7 =	vsel vm10, v11, v7;
	v9 =	vmax.f32 v58, v60  }
0x101: {  	v61 =	vsel vm5, s31, v13;
	v7 =	vsel vm4, v12, v7;
	v62 =	vperm.xlane v9, v3  }
0x102: {  	v7 =	vsel vm6, v61, v7  }
0x103: {  	v7 =	vshll.u32 v7, $0x4;
	v9 =	vmax.f32 v9, v62  }
0x104: {  	v7 =	vor.u32 v4, v7;
	vm11 =	veq.f32 v8, v9  }
0x105: {  	v7 =	vnsel vm11, $0x7FFFFFFF, v7  }
0x106: {  	v63 =	vperm.xlane v7, v0;
	_ =	sdelay $0x1  }
0x107: {  	vm0 =	vlt.s32 v7, v63  }
0x108: {  	v7 =	vsel vm0, v7, v63  }
0x109: {  	v8 =	vperm.xlane v7, v1;
	_ =	sdelay $0x1  }
0x10a: {  	vm0 =	vlt.s32 v7, v8  }
0x10b: {  	v7 =	vsel vm0, v7, v8  }
0x10c: {  	v8 =	vperm.xlane v7, v2;
	_ =	sdelay $0x1  }
0x10d: {  	vm0 =	vlt.s32 v7, v8  }
0x10e: {  	v7 =	vsel vm0, v7, v8  }
0x10f: {  	v8 =	vperm.xlane v7, v3  }
0x110: {  	vm12 =	vlt.s32 v5, v6  }
0x111: {  	v5 =	vsel vm12, v5, v6;
	vm13 =	vmmov $0x1;
	vm14 =	vlt.s32 v7, v8  }
0x112: {  	v5 =	vnsel vm13, $0x0, v5;
	vm15 =	vcmask $0x308;
	v6 =	vsel vm14, v7, v8  }
0x113: {  	v5 =	vsel vm15, v5, v6  }
0x114: {  	[tilespmem:$0xC000] =	vst v5  }
0x115: {  	[spmem:s7] =	stream.linear.scatter [tilespmem:s17], [sflag:$0x4], $0x10, $0x38;
	[tilespmem:$0xC210] =	vst v63  }
.Ltmp6:
0x116: {  	_ =	swait.ge [sflag:s18], $0x10;
	(pc) =	sbr.rel @p0 .LBB2_11-.Ltmp6, $3  }
0x117: {  	[sflag:s18] =	ssyncset.done $0x0  }
0x118: {  	[sflag:s18] =	ssyncadd.s32 $0xFFFFFFF0  }
0x119: {  	[bflag:$0x0] =	sbarrier.arrive $0xFFFF;
	_ =	sdelay $0x1  }
0x11a: {  	[tilespmem:s19], [sflag:$0x4] =	stream.linear.gather [spmem:s1], $0x100, $0x38;
	[tilespmem:$0xC210] =	vst v63  }
0x11b: {  	_ =	swait.ge [sflag:s18], $0x100  }
0x11c: {  	[sflag:s18] =	ssyncset.done $0x0  }
0x11d: {  	[sflag:s18] =	ssyncadd.s32 $0xFFFFFF00  }
0x11e: {  	v5 =	vld [tilespmem:$0xC080]  }
0x11f: {  	v7 =	vld [tilespmem:$0xC0A0]  }
0x120: {  	v8 =	vld [tilespmem:$0xC0B0]  }
0x121: {  	v9 =	vld [tilespmem:$0xC0E0]  }
0x122: {  	v10 =	vld [tilespmem:$0xC0F0]  }
0x123: {  	v11 =	vld [tilespmem:$0xC0D0]  }
0x124: {  	v12 =	vld [tilespmem:$0xC0C0]  }
0x125: {  	v13 =	vld [tilespmem:$0xC160]  }
0x126: {  	v15 =	vld [tilespmem:$0xC170]  }
0x127: {  	v14 =	vand.u32 $0x1, v4;
	vm0 =	vcmask $0x3730;
	v16 =	vld [tilespmem:$0xC150]  }
0x128: {  	vm1 =	vcmask $0x2F28;
	vm2 =	vcmask $0x2720;
	vm3 =	vcmask $0x1F18;
	v17 =	vld [tilespmem:$0xC140]  }
0x129: {  	vm4 =	vcmask $0x1710;
	v6 =	vld [tilespmem:$0xC090];
	v9 =	vperm.xlane v9, v14;
	v10 =	vperm.xlane v10, v14  }
0x12a: {  	vm14 =	vcmask $0xF08;
	v58 =	vld [tilespmem:$0xC130];
	v11 =	vperm.xlane v11, v14;
	v12 =	vperm.xlane v12, v14  }
0x12b: {  	v59 =	vld [tilespmem:$0xC120];
	v7 =	vperm.xlane v7, v14;
	v8 =	vperm.xlane v8, v14;
	v9 =	vsel vm0, v9, v10  }
0x12c: {  	v60 =	vld [tilespmem:$0xC110];
	v13 =	vperm.xlane v13, v14;
	v15 =	vperm.xlane v15, v14;
	v9 =	vsel vm1, v11, v9  }
0x12d: {  	v61 =	vld [tilespmem:$0xC100];
	v16 =	vperm.xlane v16, v14;
	v63 =	vperm.xlane v17, v14;
	v9 =	vsel vm2, v12, v9  }
0x12e: {  	v6 =	vperm.xlane v6, v14;
	v62 =	vsel vm0, v13, v15;
	v8 =	vsel vm3, v8, v9  }
0x12f: {  	v10 =	vperm.xlane v58, v14;
	v7 =	vsel vm4, v7, v8;
	v8 =	vsel vm1, v16, v62  }
0x130: {  	v5 =	vperm.xlane v5, v14;
	v11 =	vperm.xlane v59, v14;
	v8 =	vsel vm2, v63, v8  }
0x131: {  	v6 =	vsel vm14, v6, v7;
	v7 =	vperm.xlane v60, v14;
	v8 =	vsel vm3, v10, v8  }
0x132: {  	vm15 =	vmmov $0x3;
	v9 =	vperm.xlane v61, v14;
	v8 =	vsel vm4, v11, v8  }
0x133: {  	v5 =	vsel vm15, v5, v6;
	v6 =	vsel vm14, v7, v8  }
0x134: {  	[tilespmem:$0xC180] =	vst v5;
	v5 =	vsel vm15, v9, v6  }
.Ltmp7:
0x135: {  	[tilespmem:$0xC190] =	vst v5;
	(pc) =	sbr.rel .LBB2_11-.Ltmp7, $4  }
0x136: {  	[hbm4b:s8+s2] =	stream.linear.scatter [tilespmem:s20], [sflag:$0x4], $0x20, $0x38;
	[tilespmem:$0xC210] =	vst v63  }
0x137: {  	_ =	swait.ge [sflag:s18], $0x20  }
0x138: {  	[sflag:s18] =	ssyncset.done $0x0  }
0x139: {  	[sflag:s18] =	ssyncadd.s32 $0xFFFFFFE0  }
.LBB2_12:
0x13a: {  	_ =	sfence.sel $0x180000  }
0x13b: {  	[bflag:$0x0] =	sbarrier.arrive $0xFFFF  }
0x13c: {  	_ =	strace $0x90000047  }
0x13d: {  	s0 =	sadd.s32 @!p0 $0x100000, s0;
	[bflag:$0x2] =	sbarrier.arrive $0xFFFF  }
0x13e: {  	[sflag:s0] =	ssyncadd.tile.s32 @!p0 $0x1;
	_ =	shalt  }
.Lfunc_end2:
_tile_overlayer_lowered:
.L_overlay_start_2:
0x13f: {  	(tag) =	ssettag $0x2  }
0x140: {  	s0 =	rddreg [dreg:$0x0];
	s2 =	stileid.u32  }
0x141: {  	s1 =	rddreg [dreg:$0x1];
	p0 =	sne.s32 s2, $0x0  }
0x142: {  	s3 =	rddreg [dreg:$0x2];
	[bflag:$0x3] =	sbarrier.arrive $0xFFFF;
	s2 =	simm.s32 @!p0 $0x1C04  }
0x143: {  	[timem:s3], [sflag:s2] =	dma.local @!p0 [hbm:s0], s1  }
0x144: {  	s0 =	simm.s32 @!p0 $0x4  }
0x145: {  	_ =	swait.ge @!p0 [sflag:s0], s1  }
0x146: {  	s1 =	ssub.s32 @!p0 $0x0, s1;
	[sflag:s0] =	ssyncset.done @!p0 $0x0  }
0x147: {  	[sflag:s0] =	ssyncadd.s32 @!p0 s1  }
0x148: {  	[bflag:$0x3] =	sbarrier.arrive $0xFFFF  }
0x149: {  	_ =	shalt  }

</sc_bundles>
